<compile_context>
chip_gen: v7x
topology: tpu7x:2x2x1
jax: 0.10.2.dev20260603
libtpu: 0.0.44.dev20260713+nightly
codegen_flags: <defaults>
</compile_context>

<pallas_src>
import jax
import jax.numpy as jnp
from jax import lax
from jax.experimental import pallas as pl
from jax.experimental.pallas import tpu as pltpu
from jax.experimental.pallas import tpu_sc as plsc

N = 10000
NPAD = 10240
D = 128
NE = 320000
NC, NS = 2, 16
NW = NC * NS
CH = 128
NCH = 80
EPW = CH * NCH
NEP = NW * EPW
RPT = NPAD // NS

def _vec16(val):
    return (lax.iota(jnp.int32, 16) * 0).astype(jnp.float32) + val


def _mesh():
    return plsc.VectorSubcoreMesh(
        core_axis_name="c", subcore_axis_name="s", num_cores=NC, num_subcores=NS
    )


def _deg_body(dst_hbm, out_hbm, idx_v, ones_v, zb_v, acc_sh):
    c = lax.axis_index("c")
    s = lax.axis_index("s")
    w = c * NS + s

    zero16 = _vec16(0.0)
    one16 = _vec16(1.0)

    def _fill(i, _):
        zb_v[pl.ds(i * 16, 16)] = zero16
        return 0

    lax.fori_loop(0, RPT // 16, _fill, 0)

    def _fill1(i, _):
        ones_v[pl.ds(i * 16, 16)] = one16
        return 0

    lax.fori_loop(0, CH // 16, _fill1, 0)

    pltpu.sync_copy(zb_v, acc_sh.at[pl.ds(s * RPT, RPT)])
    pltpu.sync_copy(dst_hbm.at[w], idx_v)
    plsc.subcore_barrier()

    def _step(j, _):
        pltpu.sync_copy(ones_v, acc_sh.at[idx_v.at[j]], add=True)
        return 0

    lax.fori_loop(0, NCH, _step, 0)
    plsc.subcore_barrier()
    pltpu.sync_copy(acc_sh.at[pl.ds(s * RPT, RPT)], out_hbm.at[c, pl.ds(s * RPT, RPT)])


_deg_fn = pl.kernel(
    _deg_body,
    out_type=jax.ShapeDtypeStruct((NC, NPAD), jnp.float32),
    mesh=_mesh(),
    scratch_types=[
        pltpu.VMEM((NCH, CH), jnp.int32),
        pltpu.VMEM((CH,), jnp.float32),
        pltpu.VMEM((RPT,), jnp.float32),
        pltpu.VMEM_SHARED((NPAD,), jnp.float32),
    ],
)


def _agg_body(g_hbm, src_hbm, dst_hbm, out_hbm, sidx, didx, r0, acc_sh):
    c = lax.axis_index("c")
    s = lax.axis_index("s")
    w = c * NS + s

    zero16 = _vec16(0.0)

    def _fill(i, _):
        r0[i // 8, pl.ds((i % 8) * 16, 16)] = zero16
        return 0

    lax.fori_loop(0, CH * (D // 16), _fill, 0)

    def _z(i, _):
        pltpu.sync_copy(r0, acc_sh.at[pl.ds(s * RPT + i * CH, CH)])
        return 0

    lax.fori_loop(0, RPT // CH, _z, 0)
    pltpu.sync_copy(src_hbm.at[w], sidx)
    pltpu.sync_copy(dst_hbm.at[w], didx)
    plsc.subcore_barrier()

    def _step(j, _):
        pltpu.sync_copy(g_hbm.at[sidx.at[j]], r0)
        pltpu.sync_copy(r0, acc_sh.at[didx.at[j]], add=True)
        return 0

    lax.fori_loop(0, NCH, _step, 0)
    plsc.subcore_barrier()
    pltpu.sync_copy(
        acc_sh.at[pl.ds(s * RPT, RPT)], out_hbm.at[c, pl.ds(s * RPT, RPT)]
    )


_agg_fn = pl.kernel(
    _agg_body,
    out_type=jax.ShapeDtypeStruct((NC, NPAD, D), jnp.float32),
    mesh=_mesh(),
    scratch_types=[
        pltpu.VMEM((NCH, CH), jnp.int32),
        pltpu.VMEM((NCH, CH), jnp.int32),
        pltpu.VMEM((CH, D), jnp.float32),
        pltpu.VMEM_SHARED((NPAD, D), jnp.float32),
    ],
)


RB = 1024


def _mm_body(x_ref, w_ref, d0_ref, d1_ref, g_ref, dis_ref):
    deg = d0_ref[...] + d1_ref[...] + 1.0
    dis = lax.rsqrt(deg)
    h = jnp.dot(x_ref[...], w_ref[...], preferred_element_type=jnp.float32)
    g_ref[...] = h * dis[:, None]
    dis_ref[...] = dis


_mm_fn = pl.pallas_call(
    _mm_body,
    grid=(NPAD // RB,),
    in_specs=[
        pl.BlockSpec((RB, D), lambda i: (i, 0)),
        pl.BlockSpec((D, D), lambda i: (0, 0)),
        pl.BlockSpec((RB,), lambda i: (i,)),
        pl.BlockSpec((RB,), lambda i: (i,)),
    ],
    out_specs=[
        pl.BlockSpec((RB, D), lambda i: (i, 0)),
        pl.BlockSpec((RB,), lambda i: (i,)),
    ],
    out_shape=[
        jax.ShapeDtypeStruct((NPAD, D), jnp.float32),
        jax.ShapeDtypeStruct((NPAD,), jnp.float32),
    ],
)


def _epi_body(a0_ref, a1_ref, g_ref, dis_ref, b_ref, out_ref):
    v = (a0_ref[...] + a1_ref[...] + g_ref[...]) * dis_ref[...][:, None]
    v = v + b_ref[...][None, :]
    r = jnp.maximum(v, 0.0)
    m = jnp.max(r, axis=1, keepdims=True)
    ids = lax.broadcasted_iota(jnp.int32, r.shape, 1)
    out_ref[...] = jnp.min(jnp.where(r == m, ids, D), axis=1).astype(jnp.int32)


_epi_fn = pl.pallas_call(
    _epi_body,
    grid=(NPAD // RB,),
    in_specs=[
        pl.BlockSpec((RB, D), lambda i: (i, 0)),
        pl.BlockSpec((RB, D), lambda i: (i, 0)),
        pl.BlockSpec((RB, D), lambda i: (i, 0)),
        pl.BlockSpec((RB,), lambda i: (i,)),
        pl.BlockSpec((D,), lambda i: (0,)),
    ],
    out_specs=pl.BlockSpec((RB,), lambda i: (i,)),
    out_shape=jax.ShapeDtypeStruct((NPAD,), jnp.int32),
)


def kernel(x, edge_index, W, b):
    ei = edge_index.astype(jnp.int32)
    pad = jnp.full((NEP - NE,), N, jnp.int32)
    src = jnp.concatenate([ei[0], pad]).reshape(NW, NCH, CH)
    dst = jnp.concatenate([ei[1], pad]).reshape(NW, NCH, CH)
    x_p = jnp.pad(x, ((0, NPAD - N), (0, 0)))
    deg2 = _deg_fn(dst)
    g, dis = _mm_fn(x_p, W, deg2[0], deg2[1])
    acc2 = _agg_fn(g, src, dst)
    out = _epi_fn(acc2[0], acc2[1], g, dis, b)
    return out[:N]

# --- scband reference (transcript-rebuilt; emitter-appended) ---
"""Pipeline reference for scband-simple-gnn-6468220748640 (READ-ONLY COPY).

The authoritative reference and input builder live on the scoring server;
editing this copy changes nothing except your own understanding.
"""

import jax, jax.numpy as jnp
import numpy as np

N_NODES = 10000
N_EDGES = 320000
D_IN = 128
D_OUT = 128


def setup_inputs(seed: int = 0) -> dict:
    key = jax.random.key(seed)
    k1, k2, k3 = jax.random.split(key, 3)
    x = jax.random.normal(k1, (N_NODES, D_IN), dtype=jnp.float32)
    edge_index = jax.random.randint(k2, (2, N_EDGES), 0, N_NODES, dtype=jnp.int64)
    # GCN layer parameters (glorot-ish init) sized per init_kwargs
    W = jax.random.normal(k3, (D_IN, D_OUT), dtype=jnp.float32) * (1.0 / np.sqrt(D_IN))
    b = jnp.zeros((D_OUT,), dtype=jnp.float32)
    return {"x": x, "edge_index": edge_index, "W": W, "b": b}


def _gcn_conv(x, edge_index, W, b):
    # Faithful GCN layer (Kipf & Welling): add self-loops, symmetric norm,
    # linear transform, scatter-add aggregation, bias.
    N = x.shape[0]
    src = edge_index[0]
    dst = edge_index[1]
    loop = jnp.arange(N, dtype=edge_index.dtype)
    src = jnp.concatenate([src, loop])
    dst = jnp.concatenate([dst, loop])
    # degree computed on destination (col) with unit edge weights
    deg = jnp.zeros((N,), dtype=x.dtype).at[dst].add(1.0)
    deg_inv_sqrt = jnp.where(deg > 0, deg ** -0.5, 0.0)
    norm = deg_inv_sqrt[src] * deg_inv_sqrt[dst]
    h = x @ W
    msgs = h[src] * norm[:, None]
    out = jnp.zeros((N, W.shape[1]), dtype=x.dtype).at[dst].add(msgs)
    return out + b


def reference(x, edge_index, W, b):
    h = _gcn_conv(x, edge_index, W, b)
    act = jax.nn.relu(h)
    return jnp.argmax(act, axis=1)

if __name__ == "__main__":
    import jax
    _d = setup_inputs()
    print(jax.jit(kernel)(*tuple(_d.values())))

</pallas_src>

<mosaic_0001>
#map = affine_map<(d0, d1) -> (0, 0, 0)>
#map1 = affine_map<(d0, d1) -> (0, 0)>
module attributes {stable_mosaic.version = 14 : i64} {
  func.func @_deg_body(%arg0: i32, %arg1: i32, %arg2: memref<32x80x128xi32, #tpu.memory_space<hbm>>, %arg3: memref<2x10240xf32, #tpu.memory_space<hbm>>, %arg4: memref<80x128xi32, #tpu.memory_space<vmem>>, %arg5: memref<128xf32, #tpu.memory_space<vmem>>, %arg6: memref<640xf32, #tpu.memory_space<vmem>>, %arg7: memref<10240xf32, #tpu.memory_space<vmem_shared>>) attributes {dimension_semantics = [#tpu.dimension_semantics<core_parallel>, #tpu.dimension_semantics<subcore_parallel>], iteration_bounds = array<i64: 2, 16>, scalar_prefetch = 0 : i64, scratch_operands = 4 : i64, tpu.core_type = #tpu.core_type<sc_vector_subcore>, window_params = [{transform_indices = #map}, {transform_indices = #map1}]} {
    %mul3A = arith.constant 16 : i32
    %mul3A_0 = arith.muli %arg0, %mul3A : i32
    %add3A = arith.addi %mul3A_0, %arg1 : i32
    %iota3A = tpu.iota {dimensions = array<i32: 0>} : vector<16xi32>
    %mul3A_1 = arith.constant 0 : i32
    %mul3A_2 = vector.broadcast %mul3A_1 : i32 to vector<16xi32>
    %mul3A_3 = arith.muli %iota3A, %mul3A_2 : vector<16xi32>
    %convert_element_type3A = arith.sitofp %mul3A_3 : vector<16xi32> to vector<16xf32>
    %add3A_4 = arith.constant 0.000000e+00 : f32
    %add3A_5 = vector.broadcast %add3A_4 : f32 to vector<16xf32>
    %add3A_6 = arith.addf %convert_element_type3A, %add3A_5 : vector<16xf32>
    %iota3A_7 = tpu.iota {dimensions = array<i32: 0>} : vector<16xi32>
    %mul3A_8 = arith.constant 0 : i32
    %mul3A_9 = vector.broadcast %mul3A_8 : i32 to vector<16xi32>
    %mul3A_10 = arith.muli %iota3A_7, %mul3A_9 : vector<16xi32>
    %convert_element_type3A_11 = arith.sitofp %mul3A_10 : vector<16xi32> to vector<16xf32>
    %add3A_12 = arith.constant 1.000000e+00 : f32
    %add3A_13 = vector.broadcast %add3A_12 : f32 to vector<16xf32>
    %add3A_14 = arith.addf %convert_element_type3A_11, %add3A_13 : vector<16xf32>
    %scan3A = arith.constant 0 : i32
    %scan3A_15 = arith.constant 0 : i32
    %scan3A_16 = arith.constant 40 : i32
    %scan3A_17 = arith.addi %scan3A_15, %scan3A_16 : i32
    %scan3A_18 = arith.constant 1 : i32
    %scan3A_19 = scf.for %scan3A_42 = %scan3A_15 to %scan3A_17 step %scan3A_18 iter_args(%scan3A_43 = %scan3A) -> (i32)  : i32 {
      %mul3A_44 = arith.constant 16 : i32
      %mul3A_45 = arith.muli %scan3A_42, %mul3A_44 : i32
      %swap3A = arith.index_cast %mul3A_45 : i32 to index
      %swap3A_46 = tpu.vector_load %arg6[%swap3A] {strides = array<i32>} : memref<640xf32, #tpu.memory_space<vmem>>, vector<16xf32>,
      %swap3A_47 = vector.shape_cast %swap3A_46 : vector<16xf32> to vector<16xf32>
      %swap3A_48 = vector.shape_cast %add3A_6 : vector<16xf32> to vector<16xf32>
      tpu.vector_store %arg6[%swap3A], %swap3A_48 {strides = array<i32>} : memref<640xf32, #tpu.memory_space<vmem>>, vector<16xf32>,
      %scan3A_49 = arith.constant 0 : i32
      scf.yield %scan3A_49 : i32
    }
    %scan3A_20 = arith.constant 40 : i32
    %scan3A_21 = arith.constant 0 : i32
    %scan3A_22 = arith.constant 0 : i32
    %scan3A_23 = arith.constant 8 : i32
    %scan3A_24 = arith.addi %scan3A_22, %scan3A_23 : i32
    %scan3A_25 = arith.constant 1 : i32
    %scan3A_26 = scf.for %scan3A_42 = %scan3A_22 to %scan3A_24 step %scan3A_25 iter_args(%scan3A_43 = %scan3A_21) -> (i32)  : i32 {
      %mul3A_44 = arith.constant 16 : i32
      %mul3A_45 = arith.muli %scan3A_42, %mul3A_44 : i32
      %swap3A = arith.index_cast %mul3A_45 : i32 to index
      %swap3A_46 = tpu.vector_load %arg5[%swap3A] {strides = array<i32>} : memref<128xf32, #tpu.memory_space<vmem>>, vector<16xf32>,
      %swap3A_47 = vector.shape_cast %swap3A_46 : vector<16xf32> to vector<16xf32>
      %swap3A_48 = vector.shape_cast %add3A_14 : vector<16xf32> to vector<16xf32>
      tpu.vector_store %arg5[%swap3A], %swap3A_48 {strides = array<i32>} : memref<128xf32, #tpu.memory_space<vmem>>, vector<16xf32>,
      %scan3A_49 = arith.constant 0 : i32
      scf.yield %scan3A_49 : i32
    }
    %scan3A_27 = arith.constant 8 : i32
    %mul3A_28 = arith.constant 640 : i32
    %mul3A_29 = arith.muli %arg1, %mul3A_28 : i32
    "tpu.region"() ({
      %run_scoped3A = tpu.sem_alloc : memref<!tpu.dma_semaphore, #tpu.memory_space<semaphore_mem>>
      %dma_start3A = tpu.memref_slice %arg7[%mul3A_29] : memref<10240xf32, #tpu.memory_space<vmem_shared>> -> memref<640xf32, #tpu.memory_space<vmem_shared>>
      %dma_start3A_42 = tpu.memref_slice %arg7[%mul3A_29] : memref<10240xf32, #tpu.memory_space<vmem_shared>> -> memref<640xf32, #tpu.memory_space<vmem_shared>>
      tpu.enqueue_dma source(%arg6 : memref<640xf32, #tpu.memory_space<vmem>>) target(%dma_start3A_42 : memref<640xf32, #tpu.memory_space<vmem_shared>>) target_semaphore(%run_scoped3A : memref<!tpu.dma_semaphore, #tpu.memory_space<semaphore_mem>>)
      %dma_wait3A = tpu.memref_slice %arg7[%mul3A_29] : memref<10240xf32, #tpu.memory_space<vmem_shared>> -> memref<640xf32, #tpu.memory_space<vmem_shared>>
      %dma_wait3A_43 = tpu.memref_slice %arg7[%mul3A_29] : memref<10240xf32, #tpu.memory_space<vmem_shared>> -> memref<640xf32, #tpu.memory_space<vmem_shared>>
      tpu.wait_dma2 semaphore(%run_scoped3A : memref<!tpu.dma_semaphore, #tpu.memory_space<semaphore_mem>>) src(%arg6 : memref<640xf32, #tpu.memory_space<vmem>>) dst(%dma_wait3A_43 : memref<640xf32, #tpu.memory_space<vmem_shared>>)
      tpu.yield
    }) : () -> ()
    "tpu.region"() ({
      %run_scoped3A = tpu.sem_alloc : memref<!tpu.dma_semaphore, #tpu.memory_space<semaphore_mem>>
      %dma_start3A = arith.constant 0 : i32
      %dma_start3A_42 = arith.constant 0 : i32
      %dma_start3A_43 = tpu.memref_slice %arg2[%add3A, %dma_start3A, %dma_start3A_42] : memref<32x80x128xi32, #tpu.memory_space<hbm>> -> memref<1x80x128xi32, #tpu.memory_space<hbm>>
      %dma_start3A_44 = tpu.memref_squeeze %dma_start3A_43 : memref<1x80x128xi32, #tpu.memory_space<hbm>> -> memref<80x128xi32, #tpu.memory_space<hbm>>
      %dma_start3A_45 = arith.constant 0 : i32
      %dma_start3A_46 = arith.constant 0 : i32
      %dma_start3A_47 = tpu.memref_slice %arg2[%add3A, %dma_start3A_45, %dma_start3A_46] : memref<32x80x128xi32, #tpu.memory_space<hbm>> -> memref<1x80x128xi32, #tpu.memory_space<hbm>>
      %dma_start3A_48 = tpu.memref_squeeze %dma_start3A_47 : memref<1x80x128xi32, #tpu.memory_space<hbm>> -> memref<80x128xi32, #tpu.memory_space<hbm>>
      tpu.enqueue_dma source(%dma_start3A_48 : memref<80x128xi32, #tpu.memory_space<hbm>>) target(%arg4 : memref<80x128xi32, #tpu.memory_space<vmem>>) target_semaphore(%run_scoped3A : memref<!tpu.dma_semaphore, #tpu.memory_space<semaphore_mem>>)
      %dma_wait3A = arith.constant 0 : i32
      %dma_wait3A_49 = arith.constant 0 : i32
      %dma_wait3A_50 = tpu.memref_slice %arg2[%add3A, %dma_wait3A, %dma_wait3A_49] : memref<32x80x128xi32, #tpu.memory_space<hbm>> -> memref<1x80x128xi32, #tpu.memory_space<hbm>>
      %dma_wait3A_51 = tpu.memref_squeeze %dma_wait3A_50 : memref<1x80x128xi32, #tpu.memory_space<hbm>> -> memref<80x128xi32, #tpu.memory_space<hbm>>
      %dma_wait3A_52 = arith.constant 0 : i32
      %dma_wait3A_53 = arith.constant 0 : i32
      %dma_wait3A_54 = tpu.memref_slice %arg2[%add3A, %dma_wait3A_52, %dma_wait3A_53] : memref<32x80x128xi32, #tpu.memory_space<hbm>> -> memref<1x80x128xi32, #tpu.memory_space<hbm>>
      %dma_wait3A_55 = tpu.memref_squeeze %dma_wait3A_54 : memref<1x80x128xi32, #tpu.memory_space<hbm>> -> memref<80x128xi32, #tpu.memory_space<hbm>>
      tpu.wait_dma2 semaphore(%run_scoped3A : memref<!tpu.dma_semaphore, #tpu.memory_space<semaphore_mem>>) src(%dma_wait3A_55 : memref<80x128xi32, #tpu.memory_space<hbm>>) dst(%arg4 : memref<80x128xi32, #tpu.memory_space<vmem>>)
      tpu.yield
    }) : () -> ()
    %barrier3A = arith.constant 0 : index
    tpu.barrier barrier_id(%barrier3A)
    %scan3A_30 = arith.constant 0 : i32
    %scan3A_31 = arith.constant 0 : i32
    %scan3A_32 = arith.constant 80 : i32
    %scan3A_33 = arith.addi %scan3A_31, %scan3A_32 : i32
    %scan3A_34 = arith.constant 1 : i32
    %scan3A_35 = scf.for %scan3A_42 = %scan3A_31 to %scan3A_33 step %scan3A_34 iter_args(%scan3A_43 = %scan3A_30) -> (i32)  : i32 {
      "tpu.region"() ({
        %run_scoped3A = tpu.sem_alloc : memref<!tpu.dma_semaphore, #tpu.memory_space<semaphore_mem>>
        %dma_start3A = arith.constant 0 : i32
        %dma_start3A_45 = tpu.memref_slice %arg4[%scan3A_42, %dma_start3A] : memref<80x128xi32, #tpu.memory_space<vmem>> -> memref<1x128xi32, #tpu.memory_space<vmem>>
        %dma_start3A_46 = tpu.memref_squeeze %dma_start3A_45 : memref<1x128xi32, #tpu.memory_space<vmem>> -> memref<128xi32, #tpu.memory_space<vmem>>
        %dma_start3A_47 = arith.constant 0 : i32
        %dma_start3A_48 = tpu.memref_slice %arg7[%dma_start3A_47] : memref<10240xf32, #tpu.memory_space<vmem_shared>> -> memref<10240xf32, #tpu.memory_space<vmem_shared>>
        tpu.enqueue_indirect_dma source(%arg5 : memref<128xf32, #tpu.memory_space<vmem>>) target(%dma_start3A_48 : memref<10240xf32, #tpu.memory_space<vmem_shared>>) offsets(%dma_start3A_46 : memref<128xi32, #tpu.memory_space<vmem>>) semaphore(%run_scoped3A : memref<!tpu.dma_semaphore, #tpu.memory_space<semaphore_mem>>) {add = true}
        %dma_wait3A = arith.constant 0 : i32
        %dma_wait3A_49 = tpu.memref_slice %arg4[%scan3A_42, %dma_wait3A] : memref<80x128xi32, #tpu.memory_space<vmem>> -> memref<1x128xi32, #tpu.memory_space<vmem>>
        %dma_wait3A_50 = tpu.memref_squeeze %dma_wait3A_49 : memref<1x128xi32, #tpu.memory_space<vmem>> -> memref<128xi32, #tpu.memory_space<vmem>>
        %dma_wait3A_51 = arith.constant 0 : i32
        %dma_wait3A_52 = tpu.memref_slice %arg7[%dma_wait3A_51] : memref<10240xf32, #tpu.memory_space<vmem_shared>> -> memref<10240xf32, #tpu.memory_space<vmem_shared>>
        tpu.wait_indirect_dma semaphore(%run_scoped3A : memref<!tpu.dma_semaphore, #tpu.memory_space<semaphore_mem>>) src(%arg5 : memref<128xf32, #tpu.memory_space<vmem>>) dst(%dma_wait3A_52 : memref<10240xf32, #tpu.memory_space<vmem_shared>>)
        tpu.yield
      }) : () -> ()
      %scan3A_44 = arith.constant 0 : i32
      scf.yield %scan3A_44 : i32
    }
    %scan3A_36 = arith.constant 80 : i32
    %barrier3A_37 = arith.constant 0 : index
    tpu.barrier barrier_id(%barrier3A_37)
    %mul3A_38 = arith.constant 640 : i32
    %mul3A_39 = arith.muli %arg1, %mul3A_38 : i32
    %mul3A_40 = arith.constant 640 : i32
    %mul3A_41 = arith.muli %arg1, %mul3A_40 : i32
    "tpu.region"() ({
      %run_scoped3A = tpu.sem_alloc : memref<!tpu.dma_semaphore, #tpu.memory_space<semaphore_mem>>
      %dma_start3A = tpu.memref_slice %arg3[%arg0, %mul3A_41] : memref<2x10240xf32, #tpu.memory_space<hbm>> -> memref<1x640xf32, #tpu.memory_space<hbm>>
      %dma_start3A_42 = tpu.memref_squeeze %dma_start3A : memref<1x640xf32, #tpu.memory_space<hbm>> -> memref<640xf32, #tpu.memory_space<hbm>>
      %dma_start3A_43 = tpu.memref_slice %arg7[%mul3A_39] : memref<10240xf32, #tpu.memory_space<vmem_shared>> -> memref<640xf32, #tpu.memory_space<vmem_shared>>
      tpu.enqueue_dma source(%dma_start3A_43 : memref<640xf32, #tpu.memory_space<vmem_shared>>) target(%dma_start3A_42 : memref<640xf32, #tpu.memory_space<hbm>>) target_semaphore(%run_scoped3A : memref<!tpu.dma_semaphore, #tpu.memory_space<semaphore_mem>>)
      %dma_wait3A = tpu.memref_slice %arg3[%arg0, %mul3A_41] : memref<2x10240xf32, #tpu.memory_space<hbm>> -> memref<1x640xf32, #tpu.memory_space<hbm>>
      %dma_wait3A_44 = tpu.memref_squeeze %dma_wait3A : memref<1x640xf32, #tpu.memory_space<hbm>> -> memref<640xf32, #tpu.memory_space<hbm>>
      %dma_wait3A_45 = tpu.memref_slice %arg7[%mul3A_39] : memref<10240xf32, #tpu.memory_space<vmem_shared>> -> memref<640xf32, #tpu.memory_space<vmem_shared>>
      tpu.wait_dma2 semaphore(%run_scoped3A : memref<!tpu.dma_semaphore, #tpu.memory_space<semaphore_mem>>) src(%dma_wait3A_45 : memref<640xf32, #tpu.memory_space<vmem_shared>>) dst(%dma_wait3A_44 : memref<640xf32, #tpu.memory_space<hbm>>)
      tpu.yield
    }) : () -> ()
    return
  }
}

#map = affine_map<(d0, d1) -> (0, 0)>
#map1 = affine_map<(d0, d1) -> (0, 0, 0)>
module attributes {stable_mosaic.version = 14 : i64} {
  func.func @_agg_body(%arg0: i32, %arg1: i32, %arg2: memref<10240x128xf32, #tpu.memory_space<hbm>>, %arg3: memref<32x80x128xi32, #tpu.memory_space<hbm>>, %arg4: memref<32x80x128xi32, #tpu.memory_space<hbm>>, %arg5: memref<2x10240x128xf32, #tpu.memory_space<hbm>>, %arg6: memref<80x128xi32, #tpu.memory_space<vmem>>, %arg7: memref<80x128xi32, #tpu.memory_space<vmem>>, %arg8: memref<128x128xf32, #tpu.memory_space<vmem>>, %arg9: memref<10240x128xf32, #tpu.memory_space<vmem_shared>>) attributes {dimension_semantics = [#tpu.dimension_semantics<core_parallel>, #tpu.dimension_semantics<subcore_parallel>], iteration_bounds = array<i64: 2, 16>, scalar_prefetch = 0 : i64, scratch_operands = 4 : i64, tpu.core_type = #tpu.core_type<sc_vector_subcore>, window_params = [{transform_indices = #map}, {transform_indices = #map1}, {transform_indices = #map1}, {transform_indices = #map1}]} {
    %mul3A = arith.constant 16 : i32
    %mul3A_0 = arith.muli %arg0, %mul3A : i32
    %add3A = arith.addi %mul3A_0, %arg1 : i32
    %iota3A = tpu.iota {dimensions = array<i32: 0>} : vector<16xi32>
    %mul3A_1 = arith.constant 0 : i32
    %mul3A_2 = vector.broadcast %mul3A_1 : i32 to vector<16xi32>
    %mul3A_3 = arith.muli %iota3A, %mul3A_2 : vector<16xi32>
    %convert_element_type3A = arith.sitofp %mul3A_3 : vector<16xi32> to vector<16xf32>
    %add3A_4 = arith.constant 0.000000e+00 : f32
    %add3A_5 = vector.broadcast %add3A_4 : f32 to vector<16xf32>
    %add3A_6 = arith.addf %convert_element_type3A, %add3A_5 : vector<16xf32>
    %scan3A = arith.constant 0 : i32
    %scan3A_7 = arith.constant 0 : i32
    %scan3A_8 = arith.constant 1024 : i32
    %scan3A_9 = arith.addi %scan3A_7, %scan3A_8 : i32
    %scan3A_10 = arith.constant 1 : i32
    %scan3A_11 = scf.for %scan3A_32 = %scan3A_7 to %scan3A_9 step %scan3A_10 iter_args(%scan3A_33 = %scan3A) -> (i32)  : i32 {
      %jit3A = arith.constant 8 : i32
      %div3A = arith.divsi %scan3A_32, %jit3A : i32
      %sign3A = arith.constant 0 : i32
      %sign3A_34 = arith.cmpi sgt, %scan3A_32, %sign3A : i32
      %sign3A_35 = arith.extui %sign3A_34 : i1 to i32
      %sign3A_36 = arith.constant 0 : i32
      %sign3A_37 = arith.cmpi slt, %scan3A_32, %sign3A_36 : i32
      %sign3A_38 = arith.extui %sign3A_37 : i1 to i32
      %sign3A_39 = arith.subi %sign3A_35, %sign3A_38 : i32
      %sign3A_40 = arith.constant 0 : i32
      %sign3A_41 = arith.cmpi sgt, %jit3A, %sign3A_40 : i32
      %sign3A_42 = arith.extui %sign3A_41 : i1 to i32
      %sign3A_43 = arith.constant 0 : i32
      %sign3A_44 = arith.cmpi slt, %jit3A, %sign3A_43 : i32
      %sign3A_45 = arith.extui %sign3A_44 : i1 to i32
      %sign3A_46 = arith.subi %sign3A_42, %sign3A_45 : i32
      %ne3A = arith.cmpi ne, %sign3A_39, %sign3A_46 : i32
      %rem3A = arith.remsi %scan3A_32, %jit3A : i32
      %ne3A_47 = arith.constant 0 : i32
      %ne3A_48 = arith.cmpi ne, %rem3A, %ne3A_47 : i32
      %and3A = arith.andi %ne3A, %ne3A_48 : i1
      %sub3A = arith.constant 1 : i32
      %sub3A_49 = arith.subi %div3A, %sub3A : i32
      %select_n3A = arith.select %and3A, %sub3A_49, %div3A : i32
      %jit3A_50 = arith.constant 8 : i32
      %eq3A = arith.constant 0 : i32
      %eq3A_51 = arith.cmpi eq, %jit3A_50, %eq3A : i32
      %jit3A_52 = arith.constant 1 : i32
      %select_n3A_53 = arith.select %eq3A_51, %jit3A_52, %jit3A_50 : i32
      %rem3A_54 = arith.remsi %scan3A_32, %select_n3A_53 : i32
      %ne3A_55 = arith.constant 0 : i32
      %ne3A_56 = arith.cmpi ne, %rem3A_54, %ne3A_55 : i32
      %lt3A = arith.constant 0 : i32
      %lt3A_57 = arith.cmpi slt, %rem3A_54, %lt3A : i32
      %lt3A_58 = arith.constant 0 : i32
      %lt3A_59 = arith.cmpi slt, %select_n3A_53, %lt3A_58 : i32
      %ne3A_60 = arith.xori %lt3A_57, %lt3A_59 : i1
      %and3A_61 = arith.andi %ne3A_60, %ne3A_56 : i1
      %add3A_62 = arith.addi %rem3A_54, %select_n3A_53 : i32
      %select_n3A_63 = arith.select %and3A_61, %add3A_62, %rem3A_54 : i32
      %mul3A_64 = arith.constant 16 : i32
      %mul3A_65 = arith.muli %select_n3A_63, %mul3A_64 : i32
      %swap3A = arith.index_cast %select_n3A : i32 to index
      %swap3A_66 = arith.index_cast %mul3A_65 : i32 to index
      %swap3A_67 = tpu.vector_load %arg8[%swap3A, %swap3A_66] {strides = array<i32>} : memref<128x128xf32, #tpu.memory_space<vmem>>, vector<1x16xf32>,
      %swap3A_68 = vector.shape_cast %swap3A_67 : vector<1x16xf32> to vector<16xf32>
      %swap3A_69 = vector.shape_cast %add3A_6 : vector<16xf32> to vector<1x16xf32>
      tpu.vector_store %arg8[%swap3A, %swap3A_66], %swap3A_69 {strides = array<i32>} : memref<128x128xf32, #tpu.memory_space<vmem>>, vector<1x16xf32>,
      %scan3A_70 = arith.constant 0 : i32
      scf.yield %scan3A_70 : i32
    }
    %scan3A_12 = arith.constant 1024 : i32
    %scan3A_13 = arith.constant 0 : i32
    %scan3A_14 = arith.constant 0 : i32
    %scan3A_15 = arith.constant 5 : i32
    %scan3A_16 = arith.addi %scan3A_14, %scan3A_15 : i32
    %scan3A_17 = arith.constant 1 : i32
    %scan3A_18 = scf.for %scan3A_32 = %scan3A_14 to %scan3A_16 step %scan3A_17 iter_args(%scan3A_33 = %scan3A_13) -> (i32)  : i32 {
      %mul3A_34 = arith.constant 640 : i32
      %mul3A_35 = arith.muli %arg1, %mul3A_34 : i32
      %mul3A_36 = arith.constant 128 : i32
      %mul3A_37 = arith.muli %scan3A_32, %mul3A_36 : i32
      %add3A_38 = arith.addi %mul3A_35, %mul3A_37 : i32
      "tpu.region"() ({
        %run_scoped3A = tpu.sem_alloc : memref<!tpu.dma_semaphore, #tpu.memory_space<semaphore_mem>>
        %dma_start3A = arith.constant 0 : i32
        %dma_start3A_40 = tpu.memref_slice %arg9[%add3A_38, %dma_start3A] : memref<10240x128xf32, #tpu.memory_space<vmem_shared>> -> memref<128x128xf32, #tpu.memory_space<vmem_shared>>
        %dma_start3A_41 = arith.constant 0 : i32
        %dma_start3A_42 = tpu.memref_slice %arg9[%add3A_38, %dma_start3A_41] : memref<10240x128xf32, #tpu.memory_space<vmem_shared>> -> memref<128x128xf32, #tpu.memory_space<vmem_shared>>
        tpu.enqueue_dma source(%arg8 : memref<128x128xf32, #tpu.memory_space<vmem>>) target(%dma_start3A_42 : memref<128x128xf32, #tpu.memory_space<vmem_shared>>) target_semaphore(%run_scoped3A : memref<!tpu.dma_semaphore, #tpu.memory_space<semaphore_mem>>)
        %dma_wait3A = arith.constant 0 : i32
        %dma_wait3A_43 = tpu.memref_slice %arg9[%add3A_38, %dma_wait3A] : memref<10240x128xf32, #tpu.memory_space<vmem_shared>> -> memref<128x128xf32, #tpu.memory_space<vmem_shared>>
        %dma_wait3A_44 = arith.constant 0 : i32
        %dma_wait3A_45 = tpu.memref_slice %arg9[%add3A_38, %dma_wait3A_44] : memref<10240x128xf32, #tpu.memory_space<vmem_shared>> -> memref<128x128xf32, #tpu.memory_space<vmem_shared>>
        tpu.wait_dma2 semaphore(%run_scoped3A : memref<!tpu.dma_semaphore, #tpu.memory_space<semaphore_mem>>) src(%arg8 : memref<128x128xf32, #tpu.memory_space<vmem>>) dst(%dma_wait3A_45 : memref<128x128xf32, #tpu.memory_space<vmem_shared>>)
        tpu.yield
      }) : () -> ()
      %scan3A_39 = arith.constant 0 : i32
      scf.yield %scan3A_39 : i32
    }
    %scan3A_19 = arith.constant 5 : i32
    "tpu.region"() ({
      %run_scoped3A = tpu.sem_alloc : memref<!tpu.dma_semaphore, #tpu.memory_space<semaphore_mem>>
      %dma_start3A = arith.constant 0 : i32
      %dma_start3A_32 = arith.constant 0 : i32
      %dma_start3A_33 = tpu.memref_slice %arg3[%add3A, %dma_start3A, %dma_start3A_32] : memref<32x80x128xi32, #tpu.memory_space<hbm>> -> memref<1x80x128xi32, #tpu.memory_space<hbm>>
      %dma_start3A_34 = tpu.memref_squeeze %dma_start3A_33 : memref<1x80x128xi32, #tpu.memory_space<hbm>> -> memref<80x128xi32, #tpu.memory_space<hbm>>
      %dma_start3A_35 = arith.constant 0 : i32
      %dma_start3A_36 = arith.constant 0 : i32
      %dma_start3A_37 = tpu.memref_slice %arg3[%add3A, %dma_start3A_35, %dma_start3A_36] : memref<32x80x128xi32, #tpu.memory_space<hbm>> -> memref<1x80x128xi32, #tpu.memory_space<hbm>>
      %dma_start3A_38 = tpu.memref_squeeze %dma_start3A_37 : memref<1x80x128xi32, #tpu.memory_space<hbm>> -> memref<80x128xi32, #tpu.memory_space<hbm>>
      tpu.enqueue_dma source(%dma_start3A_38 : memref<80x128xi32, #tpu.memory_space<hbm>>) target(%arg6 : memref<80x128xi32, #tpu.memory_space<vmem>>) target_semaphore(%run_scoped3A : memref<!tpu.dma_semaphore, #tpu.memory_space<semaphore_mem>>)
      %dma_wait3A = arith.constant 0 : i32
      %dma_wait3A_39 = arith.constant 0 : i32
      %dma_wait3A_40 = tpu.memref_slice %arg3[%add3A, %dma_wait3A, %dma_wait3A_39] : memref<32x80x128xi32, #tpu.memory_space<hbm>> -> memref<1x80x128xi32, #tpu.memory_space<hbm>>
      %dma_wait3A_41 = tpu.memref_squeeze %dma_wait3A_40 : memref<1x80x128xi32, #tpu.memory_space<hbm>> -> memref<80x128xi32, #tpu.memory_space<hbm>>
      %dma_wait3A_42 = arith.constant 0 : i32
      %dma_wait3A_43 = arith.constant 0 : i32
      %dma_wait3A_44 = tpu.memref_slice %arg3[%add3A, %dma_wait3A_42, %dma_wait3A_43] : memref<32x80x128xi32, #tpu.memory_space<hbm>> -> memref<1x80x128xi32, #tpu.memory_space<hbm>>
      %dma_wait3A_45 = tpu.memref_squeeze %dma_wait3A_44 : memref<1x80x128xi32, #tpu.memory_space<hbm>> -> memref<80x128xi32, #tpu.memory_space<hbm>>
      tpu.wait_dma2 semaphore(%run_scoped3A : memref<!tpu.dma_semaphore, #tpu.memory_space<semaphore_mem>>) src(%dma_wait3A_45 : memref<80x128xi32, #tpu.memory_space<hbm>>) dst(%arg6 : memref<80x128xi32, #tpu.memory_space<vmem>>)
      tpu.yield
    }) : () -> ()
    "tpu.region"() ({
      %run_scoped3A = tpu.sem_alloc : memref<!tpu.dma_semaphore, #tpu.memory_space<semaphore_mem>>
      %dma_start3A = arith.constant 0 : i32
      %dma_start3A_32 = arith.constant 0 : i32
      %dma_start3A_33 = tpu.memref_slice %arg4[%add3A, %dma_start3A, %dma_start3A_32] : memref<32x80x128xi32, #tpu.memory_space<hbm>> -> memref<1x80x128xi32, #tpu.memory_space<hbm>>
      %dma_start3A_34 = tpu.memref_squeeze %dma_start3A_33 : memref<1x80x128xi32, #tpu.memory_space<hbm>> -> memref<80x128xi32, #tpu.memory_space<hbm>>
      %dma_start3A_35 = arith.constant 0 : i32
      %dma_start3A_36 = arith.constant 0 : i32
      %dma_start3A_37 = tpu.memref_slice %arg4[%add3A, %dma_start3A_35, %dma_start3A_36] : memref<32x80x128xi32, #tpu.memory_space<hbm>> -> memref<1x80x128xi32, #tpu.memory_space<hbm>>
      %dma_start3A_38 = tpu.memref_squeeze %dma_start3A_37 : memref<1x80x128xi32, #tpu.memory_space<hbm>> -> memref<80x128xi32, #tpu.memory_space<hbm>>
      tpu.enqueue_dma source(%dma_start3A_38 : memref<80x128xi32, #tpu.memory_space<hbm>>) target(%arg7 : memref<80x128xi32, #tpu.memory_space<vmem>>) target_semaphore(%run_scoped3A : memref<!tpu.dma_semaphore, #tpu.memory_space<semaphore_mem>>)
      %dma_wait3A = arith.constant 0 : i32
      %dma_wait3A_39 = arith.constant 0 : i32
      %dma_wait3A_40 = tpu.memref_slice %arg4[%add3A, %dma_wait3A, %dma_wait3A_39] : memref<32x80x128xi32, #tpu.memory_space<hbm>> -> memref<1x80x128xi32, #tpu.memory_space<hbm>>
      %dma_wait3A_41 = tpu.memref_squeeze %dma_wait3A_40 : memref<1x80x128xi32, #tpu.memory_space<hbm>> -> memref<80x128xi32, #tpu.memory_space<hbm>>
      %dma_wait3A_42 = arith.constant 0 : i32
      %dma_wait3A_43 = arith.constant 0 : i32
      %dma_wait3A_44 = tpu.memref_slice %arg4[%add3A, %dma_wait3A_42, %dma_wait3A_43] : memref<32x80x128xi32, #tpu.memory_space<hbm>> -> memref<1x80x128xi32, #tpu.memory_space<hbm>>
      %dma_wait3A_45 = tpu.memref_squeeze %dma_wait3A_44 : memref<1x80x128xi32, #tpu.memory_space<hbm>> -> memref<80x128xi32, #tpu.memory_space<hbm>>
      tpu.wait_dma2 semaphore(%run_scoped3A : memref<!tpu.dma_semaphore, #tpu.memory_space<semaphore_mem>>) src(%dma_wait3A_45 : memref<80x128xi32, #tpu.memory_space<hbm>>) dst(%arg7 : memref<80x128xi32, #tpu.memory_space<vmem>>)
      tpu.yield
    }) : () -> ()
    %barrier3A = arith.constant 0 : index
    tpu.barrier barrier_id(%barrier3A)
    %scan3A_20 = arith.constant 0 : i32
    %scan3A_21 = arith.constant 0 : i32
    %scan3A_22 = arith.constant 80 : i32
    %scan3A_23 = arith.addi %scan3A_21, %scan3A_22 : i32
    %scan3A_24 = arith.constant 1 : i32
    %scan3A_25 = scf.for %scan3A_32 = %scan3A_21 to %scan3A_23 step %scan3A_24 iter_args(%scan3A_33 = %scan3A_20) -> (i32)  : i32 {
      "tpu.region"() ({
        %run_scoped3A = tpu.sem_alloc : memref<!tpu.dma_semaphore, #tpu.memory_space<semaphore_mem>>
        %dma_start3A = arith.constant 0 : i32
        %dma_start3A_35 = tpu.memref_slice %arg6[%scan3A_32, %dma_start3A] : memref<80x128xi32, #tpu.memory_space<vmem>> -> memref<1x128xi32, #tpu.memory_space<vmem>>
        %dma_start3A_36 = tpu.memref_squeeze %dma_start3A_35 : memref<1x128xi32, #tpu.memory_space<vmem>> -> memref<128xi32, #tpu.memory_space<vmem>>
        %dma_start3A_37 = arith.constant 0 : i32
        %dma_start3A_38 = arith.constant 0 : i32
        %dma_start3A_39 = tpu.memref_slice %arg2[%dma_start3A_37, %dma_start3A_38] : memref<10240x128xf32, #tpu.memory_space<hbm>> -> memref<10240x128xf32, #tpu.memory_space<hbm>>
        tpu.enqueue_indirect_dma source(%dma_start3A_39 : memref<10240x128xf32, #tpu.memory_space<hbm>>) target(%arg8 : memref<128x128xf32, #tpu.memory_space<vmem>>) offsets(%dma_start3A_36 : memref<128xi32, #tpu.memory_space<vmem>>) semaphore(%run_scoped3A : memref<!tpu.dma_semaphore, #tpu.memory_space<semaphore_mem>>)
        %dma_wait3A = arith.constant 0 : i32
        %dma_wait3A_40 = tpu.memref_slice %arg6[%scan3A_32, %dma_wait3A] : memref<80x128xi32, #tpu.memory_space<vmem>> -> memref<1x128xi32, #tpu.memory_space<vmem>>
        %dma_wait3A_41 = tpu.memref_squeeze %dma_wait3A_40 : memref<1x128xi32, #tpu.memory_space<vmem>> -> memref<128xi32, #tpu.memory_space<vmem>>
        %dma_wait3A_42 = arith.constant 0 : i32
        %dma_wait3A_43 = arith.constant 0 : i32
        %dma_wait3A_44 = tpu.memref_slice %arg2[%dma_wait3A_42, %dma_wait3A_43] : memref<10240x128xf32, #tpu.memory_space<hbm>> -> memref<10240x128xf32, #tpu.memory_space<hbm>>
        tpu.wait_indirect_dma semaphore(%run_scoped3A : memref<!tpu.dma_semaphore, #tpu.memory_space<semaphore_mem>>) src(%dma_wait3A_44 : memref<10240x128xf32, #tpu.memory_space<hbm>>) dst(%arg8 : memref<128x128xf32, #tpu.memory_space<vmem>>)
        tpu.yield
      }) : () -> ()
      "tpu.region"() ({
        %run_scoped3A = tpu.sem_alloc : memref<!tpu.dma_semaphore, #tpu.memory_space<semaphore_mem>>
        %dma_start3A = arith.constant 0 : i32
        %dma_start3A_35 = tpu.memref_slice %arg7[%scan3A_32, %dma_start3A] : memref<80x128xi32, #tpu.memory_space<vmem>> -> memref<1x128xi32, #tpu.memory_space<vmem>>
        %dma_start3A_36 = tpu.memref_squeeze %dma_start3A_35 : memref<1x128xi32, #tpu.memory_space<vmem>> -> memref<128xi32, #tpu.memory_space<vmem>>
        %dma_start3A_37 = arith.constant 0 : i32
        %dma_start3A_38 = arith.constant 0 : i32
        %dma_start3A_39 = tpu.memref_slice %arg9[%dma_start3A_37, %dma_start3A_38] : memref<10240x128xf32, #tpu.memory_space<vmem_shared>> -> memref<10240x128xf32, #tpu.memory_space<vmem_shared>>
        tpu.enqueue_indirect_dma source(%arg8 : memref<128x128xf32, #tpu.memory_space<vmem>>) target(%dma_start3A_39 : memref<10240x128xf32, #tpu.memory_space<vmem_shared>>) offsets(%dma_start3A_36 : memref<128xi32, #tpu.memory_space<vmem>>) semaphore(%run_scoped3A : memref<!tpu.dma_semaphore, #tpu.memory_space<semaphore_mem>>) {add = true}
        %dma_wait3A = arith.constant 0 : i32
        %dma_wait3A_40 = tpu.memref_slice %arg7[%scan3A_32, %dma_wait3A] : memref<80x128xi32, #tpu.memory_space<vmem>> -> memref<1x128xi32, #tpu.memory_space<vmem>>
        %dma_wait3A_41 = tpu.memref_squeeze %dma_wait3A_40 : memref<1x128xi32, #tpu.memory_space<vmem>> -> memref<128xi32, #tpu.memory_space<vmem>>
        %dma_wait3A_42 = arith.constant 0 : i32
        %dma_wait3A_43 = arith.constant 0 : i32
        %dma_wait3A_44 = tpu.memref_slice %arg9[%dma_wait3A_42, %dma_wait3A_43] : memref<10240x128xf32, #tpu.memory_space<vmem_shared>> -> memref<10240x128xf32, #tpu.memory_space<vmem_shared>>
        tpu.wait_indirect_dma semaphore(%run_scoped3A : memref<!tpu.dma_semaphore, #tpu.memory_space<semaphore_mem>>) src(%arg8 : memref<128x128xf32, #tpu.memory_space<vmem>>) dst(%dma_wait3A_44 : memref<10240x128xf32, #tpu.memory_space<vmem_shared>>)
        tpu.yield
      }) : () -> ()
      %scan3A_34 = arith.constant 0 : i32
      scf.yield %scan3A_34 : i32
    }
    %scan3A_26 = arith.constant 80 : i32
    %barrier3A_27 = arith.constant 0 : index
    tpu.barrier barrier_id(%barrier3A_27)
    %mul3A_28 = arith.constant 640 : i32
    %mul3A_29 = arith.muli %arg1, %mul3A_28 : i32
    %mul3A_30 = arith.constant 640 : i32
    %mul3A_31 = arith.muli %arg1, %mul3A_30 : i32
    "tpu.region"() ({
      %run_scoped3A = tpu.sem_alloc : memref<!tpu.dma_semaphore, #tpu.memory_space<semaphore_mem>>
      %dma_start3A = arith.constant 0 : i32
      %dma_start3A_32 = tpu.memref_slice %arg5[%arg0, %mul3A_31, %dma_start3A] : memref<2x10240x128xf32, #tpu.memory_space<hbm>> -> memref<1x640x128xf32, #tpu.memory_space<hbm>>
      %dma_start3A_33 = tpu.memref_squeeze %dma_start3A_32 : memref<1x640x128xf32, #tpu.memory_space<hbm>> -> memref<640x128xf32, #tpu.memory_space<hbm>>
      %dma_start3A_34 = arith.constant 0 : i32
      %dma_start3A_35 = tpu.memref_slice %arg9[%mul3A_29, %dma_start3A_34] : memref<10240x128xf32, #tpu.memory_space<vmem_shared>> -> memref<640x128xf32, #tpu.memory_space<vmem_shared>>
      tpu.enqueue_dma source(%dma_start3A_35 : memref<640x128xf32, #tpu.memory_space<vmem_shared>>) target(%dma_start3A_33 : memref<640x128xf32, #tpu.memory_space<hbm>>) target_semaphore(%run_scoped3A : memref<!tpu.dma_semaphore, #tpu.memory_space<semaphore_mem>>)
      %dma_wait3A = arith.constant 0 : i32
      %dma_wait3A_36 = tpu.memref_slice %arg5[%arg0, %mul3A_31, %dma_wait3A] : memref<2x10240x128xf32, #tpu.memory_space<hbm>> -> memref<1x640x128xf32, #tpu.memory_space<hbm>>
      %dma_wait3A_37 = tpu.memref_squeeze %dma_wait3A_36 : memref<1x640x128xf32, #tpu.memory_space<hbm>> -> memref<640x128xf32, #tpu.memory_space<hbm>>
      %dma_wait3A_38 = arith.constant 0 : i32
      %dma_wait3A_39 = tpu.memref_slice %arg9[%mul3A_29, %dma_wait3A_38] : memref<10240x128xf32, #tpu.memory_space<vmem_shared>> -> memref<640x128xf32, #tpu.memory_space<vmem_shared>>
      tpu.wait_dma2 semaphore(%run_scoped3A : memref<!tpu.dma_semaphore, #tpu.memory_space<semaphore_mem>>) src(%dma_wait3A_39 : memref<640x128xf32, #tpu.memory_space<vmem_shared>>) dst(%dma_wait3A_37 : memref<640x128xf32, #tpu.memory_space<hbm>>)
      tpu.yield
    }) : () -> ()
    return
  }
}

module attributes {stable_mosaic.version = 14 : i64} {
  func.func @_mm_body(%arg0: i32, %arg1: memref<1024x128xf32, #tpu.memory_space<vmem>>, %arg2: memref<128x128xf32, #tpu.memory_space<vmem>>, %arg3: memref<1024xf32, #tpu.memory_space<vmem>>, %arg4: memref<1024xf32, #tpu.memory_space<vmem>>, %arg5: memref<1024x128xf32, #tpu.memory_space<vmem>>, %arg6: memref<1024xf32, #tpu.memory_space<vmem>>) attributes {dimension_semantics = [#tpu.dimension_semantics<arbitrary>], iteration_bounds = array<i64: 10>, scalar_prefetch = 0 : i64, scratch_operands = 0 : i64, tpu.core_type = #tpu.core_type<tc>, window_params = [{transform_indices = @transform_0, window_bounds = array<i64: 1024, 128>}, {pipeline_mode = #tpu.pipeline_mode<synchronous>, transform_indices = @transform_1, window_bounds = array<i64: 128, 128>}, {transform_indices = @transform_2, window_bounds = array<i64: 1024>}, {transform_indices = @transform_3, window_bounds = array<i64: 1024>}, {transform_indices = @transform_4, window_bounds = array<i64: 1024, 128>}, {transform_indices = @transform_5, window_bounds = array<i64: 1024>}]} {
    %get3A = arith.constant 0 : index
    %get3A_0 = vector.load %arg3[%get3A] : memref<1024xf32, #tpu.memory_space<vmem>>, vector<1024xf32>
    %get3A_1 = arith.constant 0 : index
    %get3A_2 = vector.load %arg4[%get3A_1] : memref<1024xf32, #tpu.memory_space<vmem>>, vector<1024xf32>
    %add3A = arith.addf %get3A_0, %get3A_2 : vector<1024xf32>
    %add3A_3 = arith.constant 1.000000e+00 : f32
    %add3A_4 = vector.broadcast %add3A_3 : f32 to vector<1024xf32>
    %add3A_5 = arith.addf %add3A, %add3A_4 : vector<1024xf32>
    %rsqrt3A = math.rsqrt %add3A_5 : vector<1024xf32>
    %get3A_6 = arith.constant 0 : index
    %get3A_7 = arith.constant 0 : index
    %get3A_8 = vector.load %arg1[%get3A_6, %get3A_7] : memref<1024x128xf32, #tpu.memory_space<vmem>>, vector<1024x128xf32>
    %get3A_9 = arith.constant 0 : index
    %get3A_10 = arith.constant 0 : index
    %get3A_11 = vector.load %arg2[%get3A_9, %get3A_10] : memref<128x128xf32, #tpu.memory_space<vmem>>, vector<128x128xf32>
    %dot_general3A = arith.constant dense<0.000000e+00> : vector<1024x128xf32>
    %dot_general3A_12 = tpu.matmul %get3A_8, %get3A_11, %dot_general3A {dimension_numbers = #tpu.dot_dimension_numbers<[1], [0], [0], [1], [0, 0, 1, 1], [], []>, transpose_lhs_hint = false} : vector<1024x128xf32>, vector<128x128xf32>, vector<1024x128xf32> -> vector<1024x128xf32>
    %broadcast_in_dim3A = vector.shape_cast %rsqrt3A : vector<1024xf32> to vector<1024x1xf32>
    %mul3A = vector.broadcast %broadcast_in_dim3A : vector<1024x1xf32> to vector<1024x128xf32>
    %mul3A_13 = arith.mulf %dot_general3A_12, %mul3A : vector<1024x128xf32>
    %swap3A = arith.constant 0 : index
    %swap3A_14 = arith.constant 0 : index
    %swap3A_15 = vector.load %arg5[%swap3A, %swap3A_14] : memref<1024x128xf32, #tpu.memory_space<vmem>>, vector<1024x128xf32>
    tpu.vector_store %arg5[%swap3A, %swap3A_14], %mul3A_13 {strides = array<i32>} : memref<1024x128xf32, #tpu.memory_space<vmem>>, vector<1024x128xf32>,
    %swap3A_16 = arith.constant 0 : index
    %swap3A_17 = vector.load %arg6[%swap3A_16] : memref<1024xf32, #tpu.memory_space<vmem>>, vector<1024xf32>
    tpu.vector_store %arg6[%swap3A_16], %rsqrt3A {strides = array<i32>} : memref<1024xf32, #tpu.memory_space<vmem>>, vector<1024xf32>,
    return
  }
  func.func @transform_0(%arg0: i32) -> (i32, i32) {
    %c0_i32 = arith.constant 0 : i32
    %c0_i32_0 = arith.constant 0 : i32
    return %arg0, %c0_i32 : i32, i32
  }
  func.func @transform_1(%arg0: i32) -> (i32, i32) {
    %c0_i32 = arith.constant 0 : i32
    %c0_i32_0 = arith.constant 0 : i32
    %c0_i32_1 = arith.constant 0 : i32
    return %c0_i32, %c0_i32_0 : i32, i32
  }
  func.func @transform_2(%arg0: i32) -> i32 {
    %c0_i32 = arith.constant 0 : i32
    return %arg0 : i32
  }
  func.func @transform_3(%arg0: i32) -> i32 {
    %c0_i32 = arith.constant 0 : i32
    return %arg0 : i32
  }
  func.func @transform_4(%arg0: i32) -> (i32, i32) {
    %c0_i32 = arith.constant 0 : i32
    %c0_i32_0 = arith.constant 0 : i32
    return %arg0, %c0_i32 : i32, i32
  }
  func.func @transform_5(%arg0: i32) -> i32 {
    %c0_i32 = arith.constant 0 : i32
    return %arg0 : i32
  }
}

module attributes {stable_mosaic.version = 14 : i64} {
  func.func @_epi_body(%arg0: i32, %arg1: memref<1024x128xf32, #tpu.memory_space<vmem>>, %arg2: memref<1024x128xf32, #tpu.memory_space<vmem>>, %arg3: memref<1024x128xf32, #tpu.memory_space<vmem>>, %arg4: memref<1024xf32, #tpu.memory_space<vmem>>, %arg5: memref<128xf32, #tpu.memory_space<vmem>>, %arg6: memref<1024xi32, #tpu.memory_space<vmem>>) attributes {dimension_semantics = [#tpu.dimension_semantics<arbitrary>], iteration_bounds = array<i64: 10>, scalar_prefetch = 0 : i64, scratch_operands = 0 : i64, tpu.core_type = #tpu.core_type<tc>, window_params = [{transform_indices = @transform_0, window_bounds = array<i64: 1024, 128>}, {transform_indices = @transform_1, window_bounds = array<i64: 1024, 128>}, {transform_indices = @transform_2, window_bounds = array<i64: 1024, 128>}, {transform_indices = @transform_3, window_bounds = array<i64: 1024>}, {pipeline_mode = #tpu.pipeline_mode<synchronous>, transform_indices = @transform_4, window_bounds = array<i64: 128>}, {transform_indices = @transform_5, window_bounds = array<i64: 1024>}]} {
    %get3A = arith.constant 0 : index
    %get3A_0 = arith.constant 0 : index
    %get3A_1 = vector.load %arg1[%get3A, %get3A_0] : memref<1024x128xf32, #tpu.memory_space<vmem>>, vector<1024x128xf32>
    %get3A_2 = arith.constant 0 : index
    %get3A_3 = arith.constant 0 : index
    %get3A_4 = vector.load %arg2[%get3A_2, %get3A_3] : memref<1024x128xf32, #tpu.memory_space<vmem>>, vector<1024x128xf32>
    %add3A = arith.addf %get3A_1, %get3A_4 : vector<1024x128xf32>
    %get3A_5 = arith.constant 0 : index
    %get3A_6 = arith.constant 0 : index
    %get3A_7 = vector.load %arg3[%get3A_5, %get3A_6] : memref<1024x128xf32, #tpu.memory_space<vmem>>, vector<1024x128xf32>
    %add3A_8 = arith.addf %add3A, %get3A_7 : vector<1024x128xf32>
    %get3A_9 = arith.constant 0 : index
    %get3A_10 = vector.load %arg4[%get3A_9] : memref<1024xf32, #tpu.memory_space<vmem>>, vector<1024xf32>
    %broadcast_in_dim3A = vector.shape_cast %get3A_10 : vector<1024xf32> to vector<1024x1xf32>
    %mul3A = vector.broadcast %broadcast_in_dim3A : vector<1024x1xf32> to vector<1024x128xf32>
    %mul3A_11 = arith.mulf %add3A_8, %mul3A : vector<1024x128xf32>
    %get3A_12 = arith.constant 0 : index
    %get3A_13 = vector.load %arg5[%get3A_12] : memref<128xf32, #tpu.memory_space<vmem>>, vector<128xf32>
    %broadcast_in_dim3A_14 = vector.shape_cast %get3A_13 : vector<128xf32> to vector<1x128xf32>
    %add3A_15 = vector.broadcast %broadcast_in_dim3A_14 : vector<1x128xf32> to vector<1024x128xf32>
    %add3A_16 = arith.addf %mul3A_11, %add3A_15 : vector<1024x128xf32>
    %max3A = arith.constant 0.000000e+00 : f32
    %max3A_17 = vector.broadcast %max3A : f32 to vector<1024x128xf32>
    %max3A_18 = arith.maximumf %add3A_16, %max3A_17 : vector<1024x128xf32>
    %reduce_max3A = arith.constant dense<0xFF800000> : vector<1024xf32>
    %reduce_max3A_19 = vector.multi_reduction <maximumf>, %max3A_18, %reduce_max3A [1] : vector<1024x128xf32> to vector<1024xf32>
    %broadcast_in_dim3A_20 = vector.shape_cast %reduce_max3A_19 : vector<1024xf32> to vector<1024x1xf32>
    %iota3A = tpu.iota {dimensions = array<i32: 1>} : vector<1024x128xi32>
    %eq3A = vector.broadcast %broadcast_in_dim3A_20 : vector<1024x1xf32> to vector<1024x128xf32>
    %eq3A_21 = arith.cmpf oeq, %max3A_18, %eq3A : vector<1024x128xf32>
    %jit3A = arith.constant 128 : i32
    %broadcast_in_dim3A_22 = vector.broadcast %jit3A : i32 to vector<1024x128xi32>
    %select_n3A = arith.select %eq3A_21, %iota3A, %broadcast_in_dim3A_22 : vector<1024x128xi1>, vector<1024x128xi32>
    %reduce_min3A = arith.constant dense<2147483647> : vector<1024xi32>
    %reduce_min3A_23 = vector.multi_reduction <minsi>, %select_n3A, %reduce_min3A [1] : vector<1024x128xi32> to vector<1024xi32>
    %swap3A = arith.constant 0 : index
    %swap3A_24 = vector.load %arg6[%swap3A] : memref<1024xi32, #tpu.memory_space<vmem>>, vector<1024xi32>
    tpu.vector_store %arg6[%swap3A], %reduce_min3A_23 {strides = array<i32>} : memref<1024xi32, #tpu.memory_space<vmem>>, vector<1024xi32>,
    return
  }
  func.func @transform_0(%arg0: i32) -> (i32, i32) {
    %c0_i32 = arith.constant 0 : i32
    %c0_i32_0 = arith.constant 0 : i32
    return %arg0, %c0_i32 : i32, i32
  }
  func.func @transform_1(%arg0: i32) -> (i32, i32) {
    %c0_i32 = arith.constant 0 : i32
    %c0_i32_0 = arith.constant 0 : i32
    return %arg0, %c0_i32 : i32, i32
  }
  func.func @transform_2(%arg0: i32) -> (i32, i32) {
    %c0_i32 = arith.constant 0 : i32
    %c0_i32_0 = arith.constant 0 : i32
    return %arg0, %c0_i32 : i32, i32
  }
  func.func @transform_3(%arg0: i32) -> i32 {
    %c0_i32 = arith.constant 0 : i32
    return %arg0 : i32
  }
  func.func @transform_4(%arg0: i32) -> i32 {
    %c0_i32 = arith.constant 0 : i32
    %c0_i32_0 = arith.constant 0 : i32
    return %c0_i32 : i32
  }
  func.func @transform_5(%arg0: i32) -> i32 {
    %c0_i32 = arith.constant 0 : i32
    return %arg0 : i32
  }
}

</mosaic_0001>

<sc_bundles>
// kernel: kernel.6.cloned.1.call-start
scs
__scs_entry_jumppad:
0x0: {  	(pc) =	sbr.rel $0x88, $3  }
0x1: {  	(tag) =	ssettag $0x0;
	lr =	simm.s32 $0x1  }
0x2: {  	[smem:$0x3F9D] =	sst lr;
	_ =	strace $0xD0000000  }
0x3: {  	_ = 	snop  }
0x4: {  	_ = 	snop  }
0x5: {  	_ = 	snop  }
0x6: {  	_ = 	snop  }
0x7: {  	_ = 	snop  }
__scs_overlays_trampoline_lowered:
0x8: {  	[smem:$0x3FAC] =	sst s0  }
0x9: {  	[smem:$0x3FAD] =	sst s1  }
0xa: {  	[smem:$0x3FAE] =	sst s2  }
0xb: {  	[smem:$0x3FAF] =	sst s3  }
0xc: {  	[smem:$0x3FB0] =	sst s4  }
0xd: {  	[smem:$0x3FB1] =	sst s5  }
0xe: {  	[smem:$0x3FB2] =	sst s6  }
0xf: {  	[smem:$0x3FB3] =	sst s7  }
0x10: {  	[smem:$0x3FB4] =	sst s8  }
0x11: {  	[smem:$0x3FB5] =	sst s9;
	s0 =	simm.s32 @!p0 $0x0  }
0x12: {  	s1 =	sld [smem:$0x3F9B];
	s0 =	simm.s32 @p0 $0x1  }
0x13: {  	[smem:$0x3FB6] =	sst s0;
	s0 =	simm.s32 @!p1 $0x0  }
0x14: {  	s2 =	sld [smem:$0x3F9A];
	s0 =	simm.s32 @p1 $0x1  }
0x15: {  	[smem:$0x3FB7] =	sst s0;
	s0 =	simm.s32 @!p2 $0x0  }
0x16: {  	s3 =	sld [smem:$0x3FDB];
	s0 =	simm.s32 @p2 $0x1  }
0x17: {  	s4 =	simm.s32 $0x1BF5;
	[smem:$0x3FB9] =	sst s0  }
0x18: {  	s0 =	sld [smem:$0x3F9C];
	_ =	swait.ge [sflag:s4], $0x0  }
0x19: {  	s7 =	sld [smem:$0x3F9D]  }
0x1a: {  	s8 =	sadd.s32 $0xFFFFE003, lr  }
0x1b: {  	s9 =	sadd.s32 $0xFFFFFEF7, lr;
	s5 =	simm.s32 $0xFFFFFFFF;
	p2 =	slt.u32 s8, $0xFFFFF086  }
0x1c: {  	p1 =	slt.u32 s9, $0xF7A;
	s5 =	simm.s32 @!p2 $0x0  }
0x1d: {  	s5 =	simm.s32 @p1 $0x1;
	p0 =	seq.s32 s7, s2  }
0x1e: {  	s7 =	smul.u32 @!p0 $0xF7A, s2;
	p2 =	seq.s32 @!p0 s5, $0x0  }
0x1f: {  	s9 =	smul.u32 $0xF7A, s1;
	s8 =	simm.s32 @!p0 $0x1BF5;
	p2 =	por !p2, p0  }
0x20: {  	[sflag:s8] =	ssyncset.s32 @!p0 $0xFFFFF086;
	s6 =	sadd.s32 @!p0 s3, s7;
	s7 =	simm.s32 @!p0 $0x108  }
0x21: {  	s3 =	sadd.s32 s3, s9;
	s6 =	sadd.s32 @!p0 $0x88, s6;
	s7 =	simm.s32 @p2 $0x1082  }
0x22: {  	[simem:s7], [sflag:s8] =	dma.local @!p0 [hbm:s6], $0xF7A  }
0x23: {  	s9 =	sor.u32 $0xD0000000, s2;
	s6 =	simm.s32 $0x108;
	_ =	swait.ge @!p0 [sflag:s8], $0x0  }
0x24: {  	s3 =	sadd.s32 $0x88, s3;
	s6 =	simm.s32 @!p1 $0x1082;
	[sflag:s4] =	ssyncset.s32 $0xFFFFF086  }
0x25: {  	[simem:s6], [sflag:s4] =	dma.local [hbm:s3], $0xF7A  }
0x26: {  	[smem:$0x3F9D] =	sst s1;
	(tag) =	ssettag s2;
	_ =	strace s9  }
0x27: {  	s1 =	sld [smem:$0x3FAD]  }
0x28: {  	s2 =	sld [smem:$0x3FAE]  }
0x29: {  	s4 =	sld [smem:$0x3FB0]  }
0x2a: {  	p0 =	seq.s32 s5, $0x0;
	s5 =	sld [smem:$0x3FB1]  }
0x2b: {  	s6 =	sld [smem:$0x3FB2]  }
0x2c: {  	s7 =	sld [smem:$0x3FB3]  }
0x2d: {  	s3 =	simm.s32 $0x108;
	s8 =	sld [smem:$0x3FB4]  }
0x2e: {  	s3 =	simm.s32 @!p0 $0x1082;
	s9 =	sld [smem:$0x3FB5]  }
0x2f: {  	lr =	sadd.s32 s0, s3;
	s0 =	sld [smem:$0x3FAC]  }
0x30: {  	s3 =	sld [smem:$0x3FAF]  }
0x31: {  	[smem:$0x3FB8] =	sst s10  }
0x32: {  	s10 =	sld [smem:$0x3FB6];
	_ =	sdelay $0x3  }
0x33: {  	p0 =	seq.s32 s10, $0x1;
	s10 =	sld [smem:$0x3FB8];
	_ =	sdelay $0x3  }
0x34: {  	[smem:$0x3FB8] =	sst s10  }
0x35: {  	s10 =	sld [smem:$0x3FB7];
	_ =	sdelay $0x3  }
0x36: {  	p1 =	seq.s32 s10, $0x1;
	s10 =	sld [smem:$0x3FB8];
	_ =	sdelay $0x3  }
0x37: {  	[smem:$0x3FB8] =	sst s10  }
0x38: {  	s10 =	sld [smem:$0x3FB9]  }
0x39: {  	_ = 	snop;
	(pc) =	sbr.ind lr, $3  }
0x3a: {  	_ = 	snop  }
0x3b: {  	_ = 	snop  }
0x3c: {  	p2 =	seq.s32 s10, $0x1;
	s10 =	sld [smem:$0x3FB8]  }
0x3d: {  	_ =	shalt  }
0x3e: {  	_ =	shalt  }
0x3f: {  	_ =	shalt  }
0x40: {  	_ =	shalt  }
0x41: {  	_ =	shalt  }
0x42: {  	_ =	shalt  }
0x43: {  	_ =	shalt  }
0x44: {  	_ =	shalt  }
0x45: {  	_ =	shalt  }
0x46: {  	_ =	shalt  }
0x47: {  	_ =	shalt  }
0x48: {  	_ =	shalt  }
0x49: {  	_ =	shalt  }
0x4a: {  	_ =	shalt  }
0x4b: {  	_ =	shalt  }
0x4c: {  	_ =	shalt  }
0x4d: {  	_ =	shalt  }
0x4e: {  	_ =	shalt  }
0x4f: {  	_ =	shalt  }
0x50: {  	_ =	shalt  }
0x51: {  	_ =	shalt  }
0x52: {  	_ =	shalt  }
0x53: {  	_ =	shalt  }
0x54: {  	_ =	shalt  }
0x55: {  	_ =	shalt  }
0x56: {  	_ =	shalt  }
0x57: {  	_ =	shalt  }
0x58: {  	_ =	shalt  }
0x59: {  	_ =	shalt  }
0x5a: {  	_ =	shalt  }
0x5b: {  	_ =	shalt  }
0x5c: {  	_ =	shalt  }
0x5d: {  	_ =	shalt  }
0x5e: {  	_ =	shalt  }
0x5f: {  	_ =	shalt  }
0x60: {  	_ =	shalt  }
0x61: {  	_ =	shalt  }
0x62: {  	_ =	shalt  }
0x63: {  	_ =	shalt  }
0x64: {  	_ =	shalt  }
0x65: {  	_ =	shalt  }
0x66: {  	_ =	shalt  }
0x67: {  	_ =	shalt  }
0x68: {  	_ =	shalt  }
0x69: {  	_ =	shalt  }
0x6a: {  	_ =	shalt  }
0x6b: {  	_ =	shalt  }
0x6c: {  	_ =	shalt  }
0x6d: {  	_ =	shalt  }
0x6e: {  	_ =	shalt  }
0x6f: {  	_ =	shalt  }
0x70: {  	_ =	shalt  }
0x71: {  	_ =	shalt  }
0x72: {  	_ =	shalt  }
0x73: {  	_ =	shalt  }
0x74: {  	_ =	shalt  }
0x75: {  	_ =	shalt  }
0x76: {  	_ =	shalt  }
0x77: {  	_ =	shalt  }
0x78: {  	_ =	shalt  }
0x79: {  	_ =	shalt  }
0x7a: {  	_ =	shalt  }
0x7b: {  	_ =	shalt  }
0x7c: {  	_ =	shalt  }
0x7d: {  	_ =	shalt  }
0x7e: {  	_ =	shalt  }
0x7f: {  	_ =	shalt  }
0x80: {  	_ =	shalt  }
0x81: {  	_ =	shalt  }
0x82: {  	_ =	shalt  }
0x83: {  	_ =	shalt  }
0x84: {  	_ =	shalt  }
0x85: {  	_ =	shalt  }
0x86: {  	_ =	shalt  }
0x87: {  	_ =	shalt  }
.Lfunc_end0:
.L_simem_size_0:
called_computation_lowered:
.L_overlay_start_0:
0x88: {  	s2 =	sld [smem:$0x3FD9]  }
0x89: {  	s3 =	sld [smem:$0x3FFE];
	_ =	sdelay $0x1  }
0x8a: {  	s1 =	srdreg.scid  }
0x8b: {  	s0 =	sand.u32 $0x1, s1  }
0x8c: {  	s16 =	sshll.u32 s0, $0xA;
	s2 =	sadd.s32 s3, s2  }
0x8d: {  	s2 =	sadd.s32 s2, s16  }
0x8e: {  	[smem:$0x3FC4] =	sst s2  }
0x8f: {  	_ = 	snop  }
0x90: {  	(tm) =	ssettm $0x1  }
0x91: {  	s17 =	sld [smem:$0x3FFB];
	_ =	sdelay $0x3  }
0x92: {  	_ =	strace s17  }
0x93: {  	s2 =	sld [smem:$0x3FFC];
	_ =	sdelay $0x3  }
0x94: {  	_ =	strace s2  }
0x95: {  	s2 =	sld [smem:$0x3FFD];
	_ =	sdelay $0x3  }
0x96: {  	_ =	strace s2  }
0x97: {  	_ =	strace $0x8FFFFFFF  }
0x98: {  	s18 =	sld [smem:$0x3FDB];
	_ =	sdelay $0x1  }
0x99: {  	s19 =	simm.s32 $_scs_section_size  }
0x9a: {  	s4 =	simm.s32 $_size__tile_overlayer_lowered;
	s5 =	simm.s32 $_tile_overlayer_lowered  }
0x9b: {  	s22 =	simm.s32 $0x1BFF;
	s21 =	sshll.u32 s5, $0x1;
	s2 =	sadd.s32 s19, s18  }
0x9c: {  	s6 =	simm.s32 $0x0;
	s20 =	sshll.u32 s4, $0x1;
	s4 =	sadd.s32 s21, s2  }
0x9d: {  	[timem:s6], [sflag:s22] =	dma.local [hbm:s4], s20  }
0x9e: {  	_ =	swait.ge [sflag:s22], s20  }
0x9f: {  	s3 =	ssub.s32 $0x0, s20;
	[sflag:s22] =	ssyncset.done $0x0  }
0xa0: {  	[sflag:s22] =	ssyncadd.s32 s3;
	_ =	sdelay $0x1  }
0xa1: {  	s23 =	simm.s32 $0x1B8B  }
0xa2: {  	_ =	swait.ge [sflag:s23], $0x1  }
0xa3: {  	[sflag:s23] =	ssyncset.done $0x0  }
0xa4: {  	s25 =	simm.s32 $0x1B8E;
	s24 =	sld [smem:$0x3FFE];
	[sflag:s23] =	ssyncadd.s32 $0xFFFFFFFF  }
0xa5: {  	s26 =	simm.s32 $execute0_lowered;
	[smem:$0x3FD2] =	sst s25  }
0xa6: {  	s4 =	sshll.u32 s26, $0x1;
	_ =	strace $0x80000046;
	[dreg:$0x1] =	wrdreg $0xFFFFFFFF  }
0xa7: {  	s28 =	simm.s32 $_size_execute0_lowered;
	s2 =	sadd.s32 s2, s4;
	[dreg:$0x0] =	wrdreg $0x0  }
0xa8: {  	s4 =	sshll.u32 s28, $0x1;
	[dreg:$0x2] =	wrdreg s2  }
0xa9: {  	[dreg:$0x3] =	wrdreg s4  }
0xaa: {  	[dreg:$0x4] =	wrdreg $0xC0  }
0xab: {  	_ =	task [dreg:s6], $0x5FFFF  }
0xac: {  	[dreg:$0x1] =	wrdreg $0xFFFFFFFF  }
0xad: {  	[dreg:$0x0] =	wrdreg $0x60  }
0xae: {  	[dreg:$0x2] =	wrdreg s24  }
0xaf: {  	[dreg:$0x3] =	wrdreg $0x2B000  }
0xb0: {  	[dreg:$0x4] =	wrdreg $0x9  }
0xb1: {  	_ =	task.clear_ibuf [dreg:s6], $0x5FFFF;
	_ =	strace $0x90000046  }
0xb2: {  	s29 =	simm.s32 $0x9;
	_ =	strace $0x80000048  }
0xb3: {  	_ =	swait.ge [sflag:s29], $0x1  }
0xb4: {  	[sflag:s29] =	ssyncadd.s32 $0xFFFFFFFF  }
0xb5: {  	_ =	strace $0x90000048  }
0xb6: {  	_ =	sfence  }
0xb7: {  	s30 =	sld [smem:$0x0];
	_ =	sdelay $0x2  }
0xb8: {  	s31 =	sshll.u32 s1, $0xD;
	s1 =	sshrl.u32 s1, $0x2  }
0xb9: {  	s3 =	sand.u32 $0x4000, s31;
	s1 =	sadd.s32 s1, s30  }
0xba: {  	s0 =	sor.u32 s3, s0;
	s1 =	sshll.u32 s1, $0x11  }
0xbb: {  	s0 =	sor.u32 s1, s0  }
0xbc: {  	s0 =	sadd.s32 $0x8F2B, s0  }
0xbd: {  	[sflag:s0] =	ssyncadd.remote.s32 $0x1  }
0xbe: {  	_ =	sfence.sel $0xFFFF  }
0xbf: {  	[dreg:$0x0] =	wrdreg $0xFFFFFFFF;
	(pc) =	sbr.abs _section_cstart, $3  }
0xc0: {  	[dreg:$0x1] =	wrdreg $0xFFFFFFFF  }
0xc1: {  	_ =	task.clear_ibuf [dreg:s6], $0x2FFFF;
	_ =	strace $0x9FFFFFFF  }
0xc2: {  	(tm) =	ssettm $0x7FFFFFFF  }
0xc3: {  	_ =	shalt  }
tec
execute0_lowered:
.L_overlay_start_1:
0x0: {  	(tag) =	ssettag $0x1  }
0x1: {  	s4 =	rddreg [dreg:$0x0];
	s0 =	srdreg.scid  }
0x2: {  	s2 =	rddreg [dreg:$0x1];
	s1 =	stileid.u32  }
0x3: {  	s3 =	simm.s32 $0x0;
	s10 =	simm.s32 $0x80;
	s11 =	simm.s32 $0x2800  }
0x4: {  	s14 =	simm.s32 $0x20;
	s15 =	simm.s32 $0x10;
	s16 =	simm.s32 $0x0  }
0x5: {  	s5 =	sand.u32 $0x1, s0;
	s0 =	rddreg [dreg:$0x2];
	s7 =	smul.u32 $0x500, s1  }
0x6: {  	[smem:$0x7FF] =	sst s3;
	s30 =	smul.u32 $0xA00, s1;
	s12 =	sshll.u32 s1, $0x6  }
0x7: {  	s6 =	sshll.u32 s5, $0x4;
	s8 =	sshll.u32 s5, $0x7;
	_ =	strace $0x80000047  }
0x8: {  	s5 =	ssub.s32 $0x2, s5;
	s12 =	sor.u32 $0x1C01, s12;
	s6 =	sor.u32 s1, s6  }
0x9: {  	s7 =	sor.u32 s8, s7;
	s31 =	sshrl.u32 s5, $0x1;
	s6 =	smul.u32 $0x500, s6  }
0xa: {  	s8 =	sshrl.u32 s30, $0x2;
	s7 =	sshrl.u32 s7, $0x3;
	s9 =	ssub.s32 s5, s31  }
0xb: {  	s7 =	sadd.s32 s7, s4;
	s6 =	sadd.s32 s6, s4;
	s4 =	sadd.s32 s8, s2  }
0xc: {  	s8 =	simm.s32 $0x2880;
	s5 =	sadd.s32 $0x1600, s6;
	s6 =	sadd.s32 $0xB600, s7  }
0xd: {  	v0 =	vimm.f32 $0.0e+00;
	v1 =	vimm.f32 $1.000000000e+00;
	s7 =	smax.u32 s9, $0x1;
	s9 =	simm.s32 $0x1;
	s13 =	sshrl.u32 s4, $0x3  }
.LBB2_1:
0xe: {  	[tilespmem:$0x2880] =	vst v0  }
0xf: {  	[tilespmem:$0x2890] =	vst v0  }
0x10: {  	[tilespmem:$0x28A0] =	vst v0  }
0x11: {  	[tilespmem:$0x28B0] =	vst v0  }
0x12: {  	[tilespmem:$0x28C0] =	vst v0  }
0x13: {  	[tilespmem:$0x28D0] =	vst v0  }
0x14: {  	[tilespmem:$0x28E0] =	vst v0  }
0x15: {  	[tilespmem:$0x28F0] =	vst v0  }
0x16: {  	[tilespmem:$0x2900] =	vst v0  }
0x17: {  	[tilespmem:$0x2910] =	vst v0  }
0x18: {  	[tilespmem:$0x2920] =	vst v0  }
0x19: {  	[tilespmem:$0x2930] =	vst v0  }
0x1a: {  	[tilespmem:$0x2940] =	vst v0  }
0x1b: {  	[tilespmem:$0x2950] =	vst v0  }
0x1c: {  	[tilespmem:$0x2960] =	vst v0  }
0x1d: {  	[tilespmem:$0x2970] =	vst v0  }
0x1e: {  	[tilespmem:$0x2980] =	vst v0  }
0x1f: {  	[tilespmem:$0x2990] =	vst v0  }
0x20: {  	[tilespmem:$0x29A0] =	vst v0  }
0x21: {  	[tilespmem:$0x29B0] =	vst v0  }
0x22: {  	[tilespmem:$0x29C0] =	vst v0  }
0x23: {  	[tilespmem:$0x29D0] =	vst v0  }
0x24: {  	[tilespmem:$0x29E0] =	vst v0  }
0x25: {  	[tilespmem:$0x29F0] =	vst v0  }
0x26: {  	[tilespmem:$0x2A00] =	vst v0  }
0x27: {  	[tilespmem:$0x2A10] =	vst v0  }
0x28: {  	[tilespmem:$0x2A20] =	vst v0  }
0x29: {  	[tilespmem:$0x2A30] =	vst v0  }
0x2a: {  	[tilespmem:$0x2A40] =	vst v0  }
0x2b: {  	[tilespmem:$0x2A50] =	vst v0  }
0x2c: {  	[tilespmem:$0x2A60] =	vst v0  }
0x2d: {  	[tilespmem:$0x2A70] =	vst v0  }
0x2e: {  	[tilespmem:$0x2A80] =	vst v0  }
0x2f: {  	[tilespmem:$0x2A90] =	vst v0  }
0x30: {  	[tilespmem:$0x2AA0] =	vst v0  }
0x31: {  	[tilespmem:$0x2AB0] =	vst v0  }
0x32: {  	[tilespmem:$0x2AC0] =	vst v0  }
0x33: {  	[tilespmem:$0x2AD0] =	vst v0  }
0x34: {  	[tilespmem:$0x2AE0] =	vst v0  }
0x35: {  	[tilespmem:$0x2AF0] =	vst v0  }
0x36: {  	[tilespmem:$0x2800] =	vst v1  }
0x37: {  	[tilespmem:$0x2810] =	vst v1  }
0x38: {  	[tilespmem:$0x2820] =	vst v1  }
0x39: {  	[tilespmem:$0x2830] =	vst v1  }
0x3a: {  	[tilespmem:$0x2840] =	vst v1  }
0x3b: {  	[tilespmem:$0x2850] =	vst v1  }
0x3c: {  	[tilespmem:$0x2860] =	vst v1  }
0x3d: {  	[tilespmem:$0x2870] =	vst v1  }
0x3e: {  	[spmem:s4] =	stream.linear.scatter [tilespmem:s8], [sflag:$0x1], $0x280, $0x38;
	[tilespmem:$0x2D80] =	vst v63  }
0x3f: {  	_ =	swait.ge [sflag:s9], $0x280  }
0x40: {  	[sflag:s9] =	ssyncset.done $0x0  }
0x41: {  	[sflag:s9] =	ssyncadd.s32 $0xFFFFFD80  }
0x42: {  	[tilespmem:s3], [sflag:$0x1] =	stream.linear.gather [hbm4b:s5+s3], $0x2800, $0x38;
	[tilespmem:$0x2D80] =	vst v63  }
0x43: {  	_ =	swait.ge [sflag:s9], $0x2800  }
0x44: {  	[sflag:s9] =	ssyncset.done $0x0  }
0x45: {  	[sflag:s9] =	ssyncadd.s32 $0xFFFFD800  }
0x46: {  	s17 =	simm.s32 $0x0;
	[bflag:$0x0] =	sbarrier.arrive $0xFFFF  }
0x47: {  	[spmem:s2] =	stream.indirect.scatter.add.f32 [tilespmem:s11], [sflag:$0x1], $0x1, s17, s10, $0xb8;
	[tilespmem:$0x2D80] =	vst v63  }
0x48: {  	_ =	swait.ge [sflag:s9], $0x80  }
0x49: {  	s17 =	simm.s32 $0x200;
	[sflag:s9] =	ssyncset.done $0x0  }
.LBB2_2:
0x4a: {  	s18 =	sshra.s32 s17, $0x2;
	[sflag:s9] =	ssyncadd.s32 $0xFFFFFF80;
	p0 =	sne.s32 s17, $0x9E00  }
0x4b: {  	[spmem:s2] =	stream.indirect.scatter.add.f32 [tilespmem:s11], [sflag:$0x1], $0x1, s18, s10, $0xb8;
	[tilespmem:$0x2D80] =	vst v63  }
.Ltmp0:
0x4c: {  	_ = 	snop;
	(pc) =	sbr.rel @p0 .LBB2_2-.Ltmp0, $4  }
0x4d: {  	_ = 	snop  }
0x4e: {  	s17 =	sadd.s32 $0x200, s17  }
0x4f: {  	_ =	swait.ge [sflag:s9], $0x80  }
0x50: {  	[sflag:s9] =	ssyncset.done $0x0  }
0x51: {  	s16 =	sadd.s32 $0x1, s16  }
0x52: {  	[sflag:s9] =	ssyncadd.s32 $0xFFFFFF80;
	p0 =	sne.s32 s16, s7  }
.Ltmp1:
0x53: {  	[bflag:$0x0] =	sbarrier.arrive $0xFFFF;
	(pc) =	sbr.rel @p0 .LBB2_1-.Ltmp1, $4  }
0x54: {  	[hbm:s6@s14], [sflag:s12] =	dma.strided [spmem:s13@s15], $0x50, s9, $0x10   }
0x55: {  	_ =	swait.ge [sflag:s9], $0x50  }
0x56: {  	[sflag:s9] =	ssyncset.done $0x0  }
0x57: {  	[sflag:s9] =	ssyncadd.s32 $0xFFFFFFB0  }
0x58: {  	_ =	sfence.sel $0x180000  }
0x59: {  	[bflag:$0x0] =	sbarrier.arrive $0xFFFF  }
0x5a: {  	p0 =	sne.s32 s1, $0x0;
	_ =	strace $0x90000047  }
0x5b: {  	s0 =	sadd.s32 @!p0 $0x100000, s0;
	[bflag:$0x2] =	sbarrier.arrive $0xFFFF  }
0x5c: {  	[sflag:s0] =	ssyncadd.tile.s32 @!p0 $0x1;
	_ =	shalt  }
.Lfunc_end2:
_tile_overlayer_lowered:
.L_overlay_start_2:
0x5d: {  	(tag) =	ssettag $0x2  }
0x5e: {  	s0 =	rddreg [dreg:$0x0];
	s2 =	stileid.u32  }
0x5f: {  	s1 =	rddreg [dreg:$0x1];
	p0 =	sne.s32 s2, $0x0  }
0x60: {  	s3 =	rddreg [dreg:$0x2];
	[bflag:$0x3] =	sbarrier.arrive $0xFFFF;
	s2 =	simm.s32 @!p0 $0x1C01  }
0x61: {  	[timem:s3], [sflag:s2] =	dma.local @!p0 [hbm:s0], s1  }
0x62: {  	s0 =	simm.s32 @!p0 $0x1  }
0x63: {  	_ =	swait.ge @!p0 [sflag:s0], s1  }
0x64: {  	s1 =	ssub.s32 @!p0 $0x0, s1;
	[sflag:s0] =	ssyncset.done @!p0 $0x0  }
0x65: {  	[sflag:s0] =	ssyncadd.s32 @!p0 s1  }
0x66: {  	[bflag:$0x3] =	sbarrier.arrive $0xFFFF  }
0x67: {  	_ =	shalt  }

// kernel: kernel.9.cloned.1.call-start
scs
__scs_entry_jumppad:
0x0: {  	(pc) =	sbr.rel $0x88, $3  }
0x1: {  	(tag) =	ssettag $0x0;
	lr =	simm.s32 $0x1  }
0x2: {  	[smem:$0x3F9D] =	sst lr;
	_ =	strace $0xD0000000  }
0x3: {  	_ = 	snop  }
0x4: {  	_ = 	snop  }
0x5: {  	_ = 	snop  }
0x6: {  	_ = 	snop  }
0x7: {  	_ = 	snop  }
__scs_overlays_trampoline_lowered:
0x8: {  	[smem:$0x3FAC] =	sst s0  }
0x9: {  	[smem:$0x3FAD] =	sst s1  }
0xa: {  	[smem:$0x3FAE] =	sst s2  }
0xb: {  	[smem:$0x3FAF] =	sst s3  }
0xc: {  	[smem:$0x3FB0] =	sst s4  }
0xd: {  	[smem:$0x3FB1] =	sst s5  }
0xe: {  	[smem:$0x3FB2] =	sst s6  }
0xf: {  	[smem:$0x3FB3] =	sst s7  }
0x10: {  	[smem:$0x3FB4] =	sst s8  }
0x11: {  	[smem:$0x3FB5] =	sst s9;
	s0 =	simm.s32 @!p0 $0x0  }
0x12: {  	s1 =	sld [smem:$0x3F9B];
	s0 =	simm.s32 @p0 $0x1  }
0x13: {  	[smem:$0x3FB6] =	sst s0;
	s0 =	simm.s32 @!p1 $0x0  }
0x14: {  	s2 =	sld [smem:$0x3F9A];
	s0 =	simm.s32 @p1 $0x1  }
0x15: {  	[smem:$0x3FB7] =	sst s0;
	s0 =	simm.s32 @!p2 $0x0  }
0x16: {  	s3 =	sld [smem:$0x3FDB];
	s0 =	simm.s32 @p2 $0x1  }
0x17: {  	s4 =	simm.s32 $0x1BF5;
	[smem:$0x3FB9] =	sst s0  }
0x18: {  	s0 =	sld [smem:$0x3F9C];
	_ =	swait.ge [sflag:s4], $0x0  }
0x19: {  	s7 =	sld [smem:$0x3F9D]  }
0x1a: {  	s8 =	sadd.s32 $0xFFFFE003, lr  }
0x1b: {  	s9 =	sadd.s32 $0xFFFFFEF7, lr;
	s5 =	simm.s32 $0xFFFFFFFF;
	p2 =	slt.u32 s8, $0xFFFFF086  }
0x1c: {  	p1 =	slt.u32 s9, $0xF7A;
	s5 =	simm.s32 @!p2 $0x0  }
0x1d: {  	s5 =	simm.s32 @p1 $0x1;
	p0 =	seq.s32 s7, s2  }
0x1e: {  	s7 =	smul.u32 @!p0 $0xF7A, s2;
	p2 =	seq.s32 @!p0 s5, $0x0  }
0x1f: {  	s9 =	smul.u32 $0xF7A, s1;
	s8 =	simm.s32 @!p0 $0x1BF5;
	p2 =	por !p2, p0  }
0x20: {  	[sflag:s8] =	ssyncset.s32 @!p0 $0xFFFFF086;
	s6 =	sadd.s32 @!p0 s3, s7;
	s7 =	simm.s32 @!p0 $0x108  }
0x21: {  	s3 =	sadd.s32 s3, s9;
	s6 =	sadd.s32 @!p0 $0x88, s6;
	s7 =	simm.s32 @p2 $0x1082  }
0x22: {  	[simem:s7], [sflag:s8] =	dma.local @!p0 [hbm:s6], $0xF7A  }
0x23: {  	s9 =	sor.u32 $0xD0000000, s2;
	s6 =	simm.s32 $0x108;
	_ =	swait.ge @!p0 [sflag:s8], $0x0  }
0x24: {  	s3 =	sadd.s32 $0x88, s3;
	s6 =	simm.s32 @!p1 $0x1082;
	[sflag:s4] =	ssyncset.s32 $0xFFFFF086  }
0x25: {  	[simem:s6], [sflag:s4] =	dma.local [hbm:s3], $0xF7A  }
0x26: {  	[smem:$0x3F9D] =	sst s1;
	(tag) =	ssettag s2;
	_ =	strace s9  }
0x27: {  	s1 =	sld [smem:$0x3FAD]  }
0x28: {  	s2 =	sld [smem:$0x3FAE]  }
0x29: {  	s4 =	sld [smem:$0x3FB0]  }
0x2a: {  	p0 =	seq.s32 s5, $0x0;
	s5 =	sld [smem:$0x3FB1]  }
0x2b: {  	s6 =	sld [smem:$0x3FB2]  }
0x2c: {  	s7 =	sld [smem:$0x3FB3]  }
0x2d: {  	s3 =	simm.s32 $0x108;
	s8 =	sld [smem:$0x3FB4]  }
0x2e: {  	s3 =	simm.s32 @!p0 $0x1082;
	s9 =	sld [smem:$0x3FB5]  }
0x2f: {  	lr =	sadd.s32 s0, s3;
	s0 =	sld [smem:$0x3FAC]  }
0x30: {  	s3 =	sld [smem:$0x3FAF]  }
0x31: {  	[smem:$0x3FB8] =	sst s10  }
0x32: {  	s10 =	sld [smem:$0x3FB6];
	_ =	sdelay $0x3  }
0x33: {  	p0 =	seq.s32 s10, $0x1;
	s10 =	sld [smem:$0x3FB8];
	_ =	sdelay $0x3  }
0x34: {  	[smem:$0x3FB8] =	sst s10  }
0x35: {  	s10 =	sld [smem:$0x3FB7];
	_ =	sdelay $0x3  }
0x36: {  	p1 =	seq.s32 s10, $0x1;
	s10 =	sld [smem:$0x3FB8];
	_ =	sdelay $0x3  }
0x37: {  	[smem:$0x3FB8] =	sst s10  }
0x38: {  	s10 =	sld [smem:$0x3FB9]  }
0x39: {  	_ = 	snop;
	(pc) =	sbr.ind lr, $3  }
0x3a: {  	_ = 	snop  }
0x3b: {  	_ = 	snop  }
0x3c: {  	p2 =	seq.s32 s10, $0x1;
	s10 =	sld [smem:$0x3FB8]  }
0x3d: {  	_ =	shalt  }
0x3e: {  	_ =	shalt  }
0x3f: {  	_ =	shalt  }
0x40: {  	_ =	shalt  }
0x41: {  	_ =	shalt  }
0x42: {  	_ =	shalt  }
0x43: {  	_ =	shalt  }
0x44: {  	_ =	shalt  }
0x45: {  	_ =	shalt  }
0x46: {  	_ =	shalt  }
0x47: {  	_ =	shalt  }
0x48: {  	_ =	shalt  }
0x49: {  	_ =	shalt  }
0x4a: {  	_ =	shalt  }
0x4b: {  	_ =	shalt  }
0x4c: {  	_ =	shalt  }
0x4d: {  	_ =	shalt  }
0x4e: {  	_ =	shalt  }
0x4f: {  	_ =	shalt  }
0x50: {  	_ =	shalt  }
0x51: {  	_ =	shalt  }
0x52: {  	_ =	shalt  }
0x53: {  	_ =	shalt  }
0x54: {  	_ =	shalt  }
0x55: {  	_ =	shalt  }
0x56: {  	_ =	shalt  }
0x57: {  	_ =	shalt  }
0x58: {  	_ =	shalt  }
0x59: {  	_ =	shalt  }
0x5a: {  	_ =	shalt  }
0x5b: {  	_ =	shalt  }
0x5c: {  	_ =	shalt  }
0x5d: {  	_ =	shalt  }
0x5e: {  	_ =	shalt  }
0x5f: {  	_ =	shalt  }
0x60: {  	_ =	shalt  }
0x61: {  	_ =	shalt  }
0x62: {  	_ =	shalt  }
0x63: {  	_ =	shalt  }
0x64: {  	_ =	shalt  }
0x65: {  	_ =	shalt  }
0x66: {  	_ =	shalt  }
0x67: {  	_ =	shalt  }
0x68: {  	_ =	shalt  }
0x69: {  	_ =	shalt  }
0x6a: {  	_ =	shalt  }
0x6b: {  	_ =	shalt  }
0x6c: {  	_ =	shalt  }
0x6d: {  	_ =	shalt  }
0x6e: {  	_ =	shalt  }
0x6f: {  	_ =	shalt  }
0x70: {  	_ =	shalt  }
0x71: {  	_ =	shalt  }
0x72: {  	_ =	shalt  }
0x73: {  	_ =	shalt  }
0x74: {  	_ =	shalt  }
0x75: {  	_ =	shalt  }
0x76: {  	_ =	shalt  }
0x77: {  	_ =	shalt  }
0x78: {  	_ =	shalt  }
0x79: {  	_ =	shalt  }
0x7a: {  	_ =	shalt  }
0x7b: {  	_ =	shalt  }
0x7c: {  	_ =	shalt  }
0x7d: {  	_ =	shalt  }
0x7e: {  	_ =	shalt  }
0x7f: {  	_ =	shalt  }
0x80: {  	_ =	shalt  }
0x81: {  	_ =	shalt  }
0x82: {  	_ =	shalt  }
0x83: {  	_ =	shalt  }
0x84: {  	_ =	shalt  }
0x85: {  	_ =	shalt  }
0x86: {  	_ =	shalt  }
0x87: {  	_ =	shalt  }
.Lfunc_end0:
.L_simem_size_0:
called_computation.1_lowered:
.L_overlay_start_0:
0x88: {  	s2 =	sld [smem:$0x3FD9]  }
0x89: {  	s3 =	sld [smem:$0x3FFE];
	_ =	sdelay $0x1  }
0x8a: {  	s1 =	srdreg.scid  }
0x8b: {  	s0 =	sand.u32 $0x1, s1  }
0x8c: {  	s16 =	sshll.u32 s0, $0xA;
	s2 =	sadd.s32 s3, s2  }
0x8d: {  	s2 =	sadd.s32 s2, s16  }
0x8e: {  	[smem:$0x3FC4] =	sst s2  }
0x8f: {  	_ = 	snop  }
0x90: {  	(tm) =	ssettm $0x1  }
0x91: {  	s17 =	sld [smem:$0x3FFB];
	_ =	sdelay $0x3  }
0x92: {  	_ =	strace s17  }
0x93: {  	s2 =	sld [smem:$0x3FFC];
	_ =	sdelay $0x3  }
0x94: {  	_ =	strace s2  }
0x95: {  	s2 =	sld [smem:$0x3FFD];
	_ =	sdelay $0x3  }
0x96: {  	_ =	strace s2  }
0x97: {  	_ =	strace $0x8FFFFFFF  }
0x98: {  	s18 =	sld [smem:$0x3FDB];
	_ =	sdelay $0x1  }
0x99: {  	s19 =	simm.s32 $_scs_section_size  }
0x9a: {  	s4 =	simm.s32 $_size__tile_overlayer_lowered;
	s5 =	simm.s32 $_tile_overlayer_lowered  }
0x9b: {  	s22 =	simm.s32 $0x1BFF;
	s21 =	sshll.u32 s5, $0x1;
	s2 =	sadd.s32 s19, s18  }
0x9c: {  	s6 =	simm.s32 $0x0;
	s20 =	sshll.u32 s4, $0x1;
	s4 =	sadd.s32 s21, s2  }
0x9d: {  	[timem:s6], [sflag:s22] =	dma.local [hbm:s4], s20  }
0x9e: {  	_ =	swait.ge [sflag:s22], s20  }
0x9f: {  	s3 =	ssub.s32 $0x0, s20;
	[sflag:s22] =	ssyncset.done $0x0  }
0xa0: {  	[sflag:s22] =	ssyncadd.s32 s3;
	_ =	sdelay $0x1  }
0xa1: {  	s23 =	simm.s32 $0x1B8B  }
0xa2: {  	_ =	swait.ge [sflag:s23], $0x1  }
0xa3: {  	[sflag:s23] =	ssyncset.done $0x0  }
0xa4: {  	s25 =	simm.s32 $0x1B8E;
	s24 =	sld [smem:$0x3FFE];
	[sflag:s23] =	ssyncadd.s32 $0xFFFFFFFF  }
0xa5: {  	s26 =	simm.s32 $execute0_lowered;
	[smem:$0x3FD2] =	sst s25  }
0xa6: {  	s4 =	sshll.u32 s26, $0x1;
	_ =	strace $0x80000049;
	[dreg:$0x1] =	wrdreg $0xFFFFFFFF  }
0xa7: {  	s28 =	simm.s32 $_size_execute0_lowered;
	s2 =	sadd.s32 s2, s4;
	[dreg:$0x0] =	wrdreg $0x0  }
0xa8: {  	s4 =	sshll.u32 s28, $0x1;
	[dreg:$0x2] =	wrdreg s2  }
0xa9: {  	[dreg:$0x3] =	wrdreg s4  }
0xaa: {  	[dreg:$0x4] =	wrdreg $0xC0  }
0xab: {  	_ =	task [dreg:s6], $0x5FFFF  }
0xac: {  	[dreg:$0x1] =	wrdreg $0xFFFFFFFF  }
0xad: {  	[dreg:$0x0] =	wrdreg $0x60  }
0xae: {  	[dreg:$0x2] =	wrdreg s24  }
0xaf: {  	[dreg:$0x3] =	wrdreg $0x90000  }
0xb0: {  	[dreg:$0x4] =	wrdreg $0x9  }
0xb1: {  	_ =	task.clear_ibuf [dreg:s6], $0x5FFFF;
	_ =	strace $0x90000049  }
0xb2: {  	s29 =	simm.s32 $0x9;
	_ =	strace $0x8000004B  }
0xb3: {  	_ =	swait.ge [sflag:s29], $0x1  }
0xb4: {  	[sflag:s29] =	ssyncadd.s32 $0xFFFFFFFF  }
0xb5: {  	_ =	strace $0x9000004B  }
0xb6: {  	_ =	sfence  }
0xb7: {  	s30 =	sld [smem:$0x0];
	_ =	sdelay $0x2  }
0xb8: {  	s31 =	sshll.u32 s1, $0xD;
	s1 =	sshrl.u32 s1, $0x2  }
0xb9: {  	s3 =	sand.u32 $0x4000, s31;
	s1 =	sadd.s32 s1, s30  }
0xba: {  	s0 =	sor.u32 s3, s0;
	s1 =	sshll.u32 s1, $0x11  }
0xbb: {  	s0 =	sor.u32 s1, s0  }
0xbc: {  	s0 =	sadd.s32 $0x8F2B, s0  }
0xbd: {  	[sflag:s0] =	ssyncadd.remote.s32 $0x1  }
0xbe: {  	_ =	sfence.sel $0xFFFF  }
0xbf: {  	[dreg:$0x0] =	wrdreg $0xFFFFFFFF;
	(pc) =	sbr.abs _section_cstart, $3  }
0xc0: {  	[dreg:$0x1] =	wrdreg $0xFFFFFFFF  }
0xc1: {  	_ =	task.clear_ibuf [dreg:s6], $0x2FFFF;
	_ =	strace $0x9FFFFFFF  }
0xc2: {  	(tm) =	ssettm $0x7FFFFFFF  }
0xc3: {  	_ =	shalt  }
tec
execute0_lowered:
.L_overlay_start_1:
0x0: {  	(tag) =	ssettag $0x1  }
0x1: {  	s5 =	rddreg [dreg:$0x0]  }
0x2: {  	s1 =	rddreg [dreg:$0x1]  }
0x3: {  	s2 =	srdreg.scid;
	s0 =	rddreg [dreg:$0x2];
	s3 =	simm.s32 $0x0  }
0x4: {  	s14 =	simm.s32 $0x5000;
	s15 =	simm.s32 $0x1;
	s16 =	simm.s32 $0x2800  }
0x5: {  	s17 =	simm.s32 $0x80;
	s6 =	sand.u32 $0x1, s2;
	s2 =	stileid.u32  }
0x6: {  	s20 =	simm.s32 $0x0;
	[smem:$0x7FF] =	sst s3;
	s7 =	smul.u32 $0x140000, s6  }
0x7: {  	s4 =	sshll.u32 s6, $0x4;
	s8 =	smul.u32 $0x14000, s2;
	_ =	strace $0x8000004A  }
0x8: {  	s29 =	smul.u32 $0x50000, s2;
	s6 =	ssub.s32 $0x2, s6;
	s18 =	sshll.u32 s2, $0x6  }
0x9: {  	s4 =	sor.u32 s2, s4;
	s30 =	sshrl.u32 s6, $0x1;
	s18 =	sor.u32 $0x1C01, s18  }
0xa: {  	s9 =	smul.u32 $0x500, s4;
	s4 =	sadd.s32 $0x16000, s5;
	s7 =	sadd.s32 s8, s7  }
0xb: {  	s31 =	sshrl.u32 s29, $0x2;
	s11 =	ssub.s32 s6, s30;
	s7 =	sshrl.u32 s7, $0x3  }
0xc: {  	s9 =	sadd.s32 s9, s5;
	s10 =	sadd.s32 s7, s5;
	s5 =	sadd.s32 s31, s1  }
0xd: {  	s6 =	sadd.s32 $0xC000, s9;
	s7 =	sadd.s32 $0x1600, s9;
	s8 =	sadd.s32 $0x3E000, s10  }
0xe: {  	s9 =	smax.u32 s11, $0x1;
	s10 =	sadd.s32 $0x4000, s5;
	s11 =	sadd.s32 $0x8000, s5  }
0xf: {  	v0 =	vimm.f32 $0.0e+00;
	s12 =	sadd.s32 $0xC000, s5;
	s13 =	sadd.s32 $0x10000, s5;
	s19 =	sshrl.u32 s5, $0x3  }
.LBB2_1:
0x10: {  	s21 =	sand.u32 $0xFE00, s3  }
0x11: {  	s22 =	sand.u32 $0x70, s3;
	s23 =	sshrl.u32 s21, $0x2  }
0x12: {  	s21 =	simm.s32 $0x40;
	s23 =	sor.u32 s22, s23;
	s22 =	simm.s32 $0x0  }
.LBB2_2:
0x13: {  	p0 =	sne.s32 s21, $0xFFC0  }
0x14: {  	[tilespmem:s23+$0x5000] =	vst v0;
	s22 =	sadd.s32 $0x10, s22;
	s23 =	smov.u32 s21;
	s21 =	sadd.s32 $0x40, s21  }
.Ltmp0:
0x15: {  	(pc) =	sbr.rel @p0 .LBB2_2-.Ltmp0, $4  }
0x16: {  	_ = 	snop  }
0x17: {  	s23 =	sand.u32 $0xFE00, s23  }
0x18: {  	s24 =	sand.u32 $0x70, s22;
	s23 =	sshrl.u32 s23, $0x2  }
0x19: {  	s23 =	sor.u32 s24, s23  }
0x1a: {  	[tilespmem:s23+$0x5000] =	vst v0  }
0x1b: {  	[spmem:s5] =	stream.linear.scatter [tilespmem:s14], [sflag:$0x1], $0x4000, $0x38;
	[tilespmem:$0x1D000] =	vst v63  }
0x1c: {  	_ =	swait.ge [sflag:s15], $0x4000  }
0x1d: {  	[sflag:s15] =	ssyncset.done $0x0  }
0x1e: {  	[sflag:s15] =	ssyncadd.s32 $0xFFFFC000  }
0x1f: {  	[spmem:s10] =	stream.linear.scatter [tilespmem:s14], [sflag:$0x1], $0x4000, $0x38;
	[tilespmem:$0x1D000] =	vst v63  }
0x20: {  	_ =	swait.ge [sflag:s15], $0x4000  }
0x21: {  	[sflag:s15] =	ssyncset.done $0x0  }
0x22: {  	[sflag:s15] =	ssyncadd.s32 $0xFFFFC000  }
0x23: {  	[spmem:s11] =	stream.linear.scatter [tilespmem:s14], [sflag:$0x1], $0x4000, $0x38;
	[tilespmem:$0x1D000] =	vst v63  }
0x24: {  	_ =	swait.ge [sflag:s15], $0x4000  }
0x25: {  	[sflag:s15] =	ssyncset.done $0x0  }
0x26: {  	[sflag:s15] =	ssyncadd.s32 $0xFFFFC000  }
0x27: {  	[spmem:s12] =	stream.linear.scatter [tilespmem:s14], [sflag:$0x1], $0x4000, $0x38;
	[tilespmem:$0x1D000] =	vst v63  }
0x28: {  	_ =	swait.ge [sflag:s15], $0x4000  }
0x29: {  	[sflag:s15] =	ssyncset.done $0x0  }
0x2a: {  	[sflag:s15] =	ssyncadd.s32 $0xFFFFC000  }
0x2b: {  	[spmem:s13] =	stream.linear.scatter [tilespmem:s14], [sflag:$0x1], $0x4000, $0x38;
	[tilespmem:$0x1D000] =	vst v63  }
0x2c: {  	_ =	swait.ge [sflag:s15], $0x4000  }
0x2d: {  	[sflag:s15] =	ssyncset.done $0x0  }
0x2e: {  	s21 =	simm.s32 $0x0;
	[sflag:s15] =	ssyncadd.s32 $0xFFFFC000  }
0x2f: {  	[tilespmem:s21], [sflag:$0x1] =	stream.linear.gather [hbm4b:s6+s21], $0x2800, $0x38;
	[tilespmem:$0x1D000] =	vst v63  }
0x30: {  	_ =	swait.ge [sflag:s15], $0x2800  }
0x31: {  	[sflag:s15] =	ssyncset.done $0x0  }
0x32: {  	[sflag:s15] =	ssyncadd.s32 $0xFFFFD800  }
0x33: {  	[tilespmem:s16], [sflag:$0x1] =	stream.linear.gather [hbm4b:s7+s21], $0x2800, $0x38;
	[tilespmem:$0x1D000] =	vst v63  }
0x34: {  	_ =	swait.ge [sflag:s15], $0x2800  }
0x35: {  	[sflag:s15] =	ssyncset.done $0x0  }
0x36: {  	[sflag:s15] =	ssyncadd.s32 $0xFFFFD800  }
0x37: {  	s30 =	simm.s32 $0x0;
	[bflag:$0x0] =	sbarrier.arrive $0xFFFF  }
0x38: {  	[tilespmem:s14], [sflag:$0x1] =	stream.indirect.gather [hbm4b:s4+s17], $0x80, s30, s17, $0xb8;
	[tilespmem:$0x1D000] =	vst v63  }
0x39: {  	_ =	swait.ge [sflag:s15], $0x4000  }
0x3a: {  	[sflag:s15] =	ssyncset.done $0x0  }
0x3b: {  	s31 =	simm.s32 $0x2800;
	[sflag:s15] =	ssyncadd.s32 $0xFFFFC000  }
0x3c: {  	[spmem:s1] =	stream.indirect.scatter.add.f32 [tilespmem:s14], [sflag:$0x1], $0x80, s31, s17, $0xb8;
	[tilespmem:$0x1D000] =	vst v63  }
0x3d: {  	_ =	swait.ge [sflag:s15], $0x4000  }
0x3e: {  	s22 =	simm.s32 $0x400;
	s21 =	simm.s32 $0x200;
	[sflag:s15] =	ssyncset.done $0x0  }
.LBB2_4:
0x3f: {  	s23 =	sshra.s32 s21, $0x2  }
0x40: {  	[sflag:s15] =	ssyncadd.s32 $0xFFFFC000;
	s21 =	smov.u32 s22;
	s24 =	sadd.s32 $0x200, s22  }
0x41: {  	[tilespmem:s14], [sflag:$0x1] =	stream.indirect.gather [hbm4b:s4+s17], $0x80, s23, s17, $0xb8;
	[tilespmem:$0x1D000] =	vst v63  }
0x42: {  	p0 =	sne.s32 s22, $0x9E00;
	_ =	swait.ge [sflag:s15], $0x4000  }
.Ltmp1:
0x43: {  	[sflag:s15] =	ssyncset.done $0x0;
	(pc) =	sbr.rel @p0 .LBB2_4-.Ltmp1, $4  }
0x44: {  	s22 =	sadd.s32 $0x2800, s23;
	[sflag:s15] =	ssyncadd.s32 $0xFFFFC000  }
0x45: {  	[spmem:s1] =	stream.indirect.scatter.add.f32 [tilespmem:s14], [sflag:$0x1], $0x80, s22, s17, $0xb8;
	[tilespmem:$0x1D000] =	vst v63  }
0x46: {  	_ =	swait.ge [sflag:s15], $0x4000  }
0x47: {  	s22 =	smov.u32 s24;
	[sflag:s15] =	ssyncset.done $0x0  }
0x48: {  	s21 =	sshra.s32 s21, $0x2;
	[sflag:s15] =	ssyncadd.s32 $0xFFFFC000  }
0x49: {  	[tilespmem:s14], [sflag:$0x1] =	stream.indirect.gather [hbm4b:s4+s17], $0x80, s21, s17, $0xb8;
	[tilespmem:$0x1D000] =	vst v63  }
0x4a: {  	_ =	swait.ge [sflag:s15], $0x4000  }
0x4b: {  	[sflag:s15] =	ssyncset.done $0x0  }
0x4c: {  	s21 =	sadd.s32 $0x2800, s21;
	[sflag:s15] =	ssyncadd.s32 $0xFFFFC000  }
0x4d: {  	[spmem:s1] =	stream.indirect.scatter.add.f32 [tilespmem:s14], [sflag:$0x1], $0x80, s21, s17, $0xb8;
	[tilespmem:$0x1D000] =	vst v63  }
0x4e: {  	_ =	swait.ge [sflag:s15], $0x4000  }
0x4f: {  	s20 =	sadd.s32 $0x1, s20;
	[sflag:s15] =	ssyncset.done $0x0  }
0x50: {  	p0 =	sne.s32 s20, s9;
	[sflag:s15] =	ssyncadd.s32 $0xFFFFC000  }
.Ltmp2:
0x51: {  	[bflag:$0x0] =	sbarrier.arrive $0xFFFF;
	(pc) =	sbr.rel @p0 .LBB2_1-.Ltmp2, $4  }
0x52: {  	[hbm:s8], [sflag:s18] =	dma.local [spmem:s19], $0x2800  }
0x53: {  	_ =	swait.ge [sflag:s15], $0x2800  }
0x54: {  	[sflag:s15] =	ssyncset.done $0x0  }
0x55: {  	[sflag:s15] =	ssyncadd.s32 $0xFFFFD800  }
0x56: {  	_ =	sfence.sel $0x180000  }
0x57: {  	[bflag:$0x0] =	sbarrier.arrive $0xFFFF  }
0x58: {  	p0 =	sne.s32 s2, $0x0;
	_ =	strace $0x9000004A  }
0x59: {  	s0 =	sadd.s32 @!p0 $0x100000, s0;
	[bflag:$0x2] =	sbarrier.arrive $0xFFFF  }
0x5a: {  	[sflag:s0] =	ssyncadd.tile.s32 @!p0 $0x1;
	_ =	shalt  }
.Lfunc_end2:
_tile_overlayer_lowered:
.L_overlay_start_2:
0x5b: {  	(tag) =	ssettag $0x2  }
0x5c: {  	s0 =	rddreg [dreg:$0x0];
	s2 =	stileid.u32  }
0x5d: {  	s1 =	rddreg [dreg:$0x1];
	p0 =	sne.s32 s2, $0x0  }
0x5e: {  	s3 =	rddreg [dreg:$0x2];
	[bflag:$0x3] =	sbarrier.arrive $0xFFFF;
	s2 =	simm.s32 @!p0 $0x1C01  }
0x5f: {  	[timem:s3], [sflag:s2] =	dma.local @!p0 [hbm:s0], s1  }
0x60: {  	s0 =	simm.s32 @!p0 $0x1  }
0x61: {  	_ =	swait.ge @!p0 [sflag:s0], s1  }
0x62: {  	s1 =	ssub.s32 @!p0 $0x0, s1;
	[sflag:s0] =	ssyncset.done @!p0 $0x0  }
0x63: {  	[sflag:s0] =	ssyncadd.s32 @!p0 s1  }
0x64: {  	[bflag:$0x3] =	sbarrier.arrive $0xFFFF  }
0x65: {  	_ =	shalt  }

</sc_bundles>
